<compile_context>
chip_gen: v7x
topology: tpu7x:2x2x1
jax: 0.10.2.dev20260603
libtpu: 0.0.44.dev20260713+nightly
codegen_flags: <defaults>
</compile_context>

<pallas_src>
import jax
import jax.numpy as jnp
from jax import lax
from jax.experimental import pallas as pl
from jax.experimental.pallas import tpu as pltpu
from jax.experimental.pallas import tpu_sc as plsc

M = 1_000_000
D = 64
B = 16384

NS = 16
L = 16
CH = 128
PSC = B // NS
SCH = PSC // CH
CC = 64
CCH = PSC // CC
TAGS = M + NS * CH
ROUNDS = 4
MS = 4096
MSA = 62504
MSB = M - 15 * MSA
CPR = 256
RPT = 62496
RPT_LAST = M - 15 * RPT
NFULL = RPT // CPR
TAIL = RPT - NFULL * CPR
TAIL_LAST = RPT_LAST - NFULL * CPR


def _body(x_hbm, val_hbm, idx_hbm, out_hbm,
          sidx, tvals, stage_i, stage_p, minus1,
          ste, sto, rows, cb,
          tag_sp, gsem, ssem, rsem, wsem):
    sid = lax.axis_index("s")
    tid = sid
    kio = lax.iota(jnp.int32, L)
    neg1 = jnp.zeros((L,), jnp.int32) - 1

    def fill(m, carry):
        minus1[pl.ds(m * L, L)] = neg1
        return carry

    lax.fori_loop(0, MS // L, fill, jnp.int32(0))

    mbase = tid * MSA
    NMS = MSA // MS

    def mset(m, carry):
        pltpu.make_async_copy(minus1,
                              tag_sp.at[pl.ds(mbase + m * MS, MS)],
                              ssem).start()
        return carry

    lax.fori_loop(0, NMS, mset, jnp.int32(0))
    mt1 = pltpu.make_async_copy(minus1.at[pl.ds(0, MSA - NMS * MS)],
                                tag_sp.at[pl.ds(mbase + NMS * MS,
                                                MSA - NMS * MS)], ssem)
    mt2 = pltpu.make_async_copy(minus1.at[pl.ds(0, MSB - NMS * MS)],
                                tag_sp.at[pl.ds(mbase + NMS * MS,
                                                MSB - NMS * MS)], ssem)

    @pl.when(tid < NS - 1)
    def _():
        mt1.start()

    @pl.when(tid == NS - 1)
    def _():
        mt2.start()

    pltpu.sync_copy(idx_hbm.at[pl.ds(tid * PSC, PSC)], sidx)

    def mdrain(m, carry):
        pltpu.make_async_copy(minus1, tag_sp.at[pl.ds(0, MS)], ssem).wait()
        return carry

    lax.fori_loop(0, NMS, mdrain, jnp.int32(0))

    @pl.when(tid < NS - 1)
    def _():
        mt1.wait()

    @pl.when(tid == NS - 1)
    def _():
        mt2.wait()

    plsc.subcore_barrier()

    dump0 = M + tid * CH
    pbase16 = tid * PSC

    def stage_a(ch, carry):
        def st(s, carry):
            v = sidx[pl.ds(ch * CH + s * L, L)]
            stage_i[ch, pl.ds(s * L, L)] = v
            stage_p[ch, pl.ds(s * L, L)] = kio + (pbase16 + ch * CH + s * L)
            return carry

        lax.fori_loop(0, CH // L, st, jnp.int32(0))
        pltpu.make_async_copy(stage_p.at[ch], tag_sp.at[stage_i.at[ch]],
                              ssem).start()
        return carry

    lax.fori_loop(0, SCH, stage_a, jnp.int32(0))

    def drain_s(ch, carry):
        pltpu.make_async_copy(stage_p.at[0], tag_sp.at[stage_i.at[0]],
                              ssem).wait()
        return carry

    lax.fori_loop(0, SCH, drain_s, jnp.int32(0))
    plsc.subcore_barrier()

    def do_round(_r, carry):
        def fire_g(ch, carry):
            pltpu.make_async_copy(
                tag_sp.at[sidx.at[pl.ds(ch * CH, CH)]],
                tvals.at[pl.ds(ch * CH, CH)], gsem).start()
            return carry

        lax.fori_loop(0, SCH, fire_g, jnp.int32(0))

        def drain_g(ch, carry):
            pltpu.make_async_copy(
                tag_sp.at[sidx.at[pl.ds(0, CH)]],
                tvals.at[pl.ds(0, CH)], gsem).wait()
            return carry

        lax.fori_loop(0, SCH, drain_g, jnp.int32(0))
        plsc.subcore_barrier()

        def stage_b(ch, carry):
            def st(s, carry):
                v = sidx[pl.ds(ch * CH + s * L, L)]
                t = tvals[pl.ds(ch * CH + s * L, L)]
                posv = kio + (pbase16 + ch * CH + s * L)
                sel = jnp.where(t < posv, 1, 0)
                stage_i[ch, pl.ds(s * L, L)] = (
                    v * sel + (dump0 + s * L + kio) * (1 - sel))
                return carry

            lax.fori_loop(0, CH // L, st, jnp.int32(0))
            pltpu.make_async_copy(stage_p.at[ch], tag_sp.at[stage_i.at[ch]],
                                  ssem).start()
            return carry

        lax.fori_loop(0, SCH, stage_b, jnp.int32(0))
        lax.fori_loop(0, SCH, drain_s, jnp.int32(0))
        plsc.subcore_barrier()
        return carry

    lax.fori_loop(0, ROUNDS, do_round, jnp.int32(0))

    rbase = tid * RPT

    def rd(ch, buf):
        return pltpu.make_async_copy(
            x_hbm.at[pl.ds(rbase + ch * CPR, CPR)], cb.at[buf], rsem)

    def wr(ch, buf):
        return pltpu.make_async_copy(
            cb.at[buf], out_hbm.at[pl.ds(rbase + ch * CPR, CPR)], wsem)

    rd(0, 0).start()

    def copy_chunk(ch, carry):
        p = ch % 2

        @pl.when(ch >= 1)
        def _():
            wr(0, 0).wait()

        @pl.when(ch + 1 < NFULL)
        def _():
            rd(ch + 1, 1 - p).start()

        rd(0, 0).wait()
        wr(ch, p).start()
        return carry

    lax.fori_loop(0, NFULL, copy_chunk, jnp.int32(0))
    wr(0, 0).wait()

    tl1r = pltpu.make_async_copy(
        x_hbm.at[pl.ds(rbase + NFULL * CPR, TAIL)],
        cb.at[0].at[pl.ds(0, TAIL), :], rsem)
    tl1w = pltpu.make_async_copy(
        cb.at[0].at[pl.ds(0, TAIL), :],
        out_hbm.at[pl.ds(rbase + NFULL * CPR, TAIL)], wsem)
    tl2r = pltpu.make_async_copy(
        x_hbm.at[pl.ds(rbase + NFULL * CPR, TAIL_LAST)],
        cb.at[0].at[pl.ds(0, TAIL_LAST), :], rsem)
    tl2w = pltpu.make_async_copy(
        cb.at[0].at[pl.ds(0, TAIL_LAST), :],
        out_hbm.at[pl.ds(rbase + NFULL * CPR, TAIL_LAST)], wsem)

    @pl.when(tid < NS - 1)
    def _():
        tl1r.start()
        tl1r.wait()
        tl1w.start()
        tl1w.wait()

    @pl.when(tid == NS - 1)
    def _():
        tl2r.start()
        tl2r.wait()
        tl2w.start()
        tl2w.wait()

    plsc.subcore_barrier()

    pltpu.sync_copy(idx_hbm.at[pl.ds(tid * PSC, PSC)], sidx)

    def chunk(ch, carry):
        gt = pltpu.make_async_copy(
            tag_sp.at[sidx.at[pl.ds(ch * CH, CH)]],
            tvals.at[pl.ds(0, CH)], gsem)
        gt.start()

        def st1(s, carry):
            ste[pl.ds(s * L, L)] = sidx[pl.ds(ch * CH + s * L, L)]
            return carry

        lax.fori_loop(0, CH // L, st1, jnp.int32(0))
        gt.wait()

        def st2(s, carry):
            sto[pl.ds(s * L, L)] = tvals[pl.ds(s * L, L)]
            return carry

        lax.fori_loop(0, CH // L, st2, jnp.int32(0))
        gr = pltpu.make_async_copy(val_hbm.at[sto], rows, gsem)
        gr.start()
        gr.wait()
        sw = pltpu.make_async_copy(rows, out_hbm.at[ste], ssem)
        sw.start()
        sw.wait()
        return carry

    lax.fori_loop(0, SCH, chunk, jnp.int32(0))


_mesh = plsc.VectorSubcoreMesh(core_axis_name="c", subcore_axis_name="s",
                               num_cores=1)

_sc_put = pl.kernel(
    _body,
    out_type=jax.ShapeDtypeStruct((M, D), jnp.float32),
    mesh=_mesh,
    compiler_params=pltpu.CompilerParams(use_tc_tiling_on_sc=False),
    scratch_types=[
        pltpu.VMEM((PSC,), jnp.int32),
        pltpu.VMEM((PSC,), jnp.int32),
        pltpu.VMEM((SCH, CH), jnp.int32),
        pltpu.VMEM((SCH, CH), jnp.int32),
        pltpu.VMEM((MS,), jnp.int32),
        pltpu.VMEM((CH,), jnp.int32),
        pltpu.VMEM((CH,), jnp.int32),
        pltpu.VMEM((CH, D), jnp.float32),
        pltpu.VMEM((2, CPR, D), jnp.float32),
        pltpu.VMEM_SHARED((TAGS,), jnp.int32),
        pltpu.SemaphoreType.DMA,
        pltpu.SemaphoreType.DMA,
        pltpu.SemaphoreType.DMA,
        pltpu.SemaphoreType.DMA,
    ],
)


@jax.jit
def kernel(x, indices, values):
    return _sc_put(x, values, indices)

# --- scband reference (transcript-rebuilt; emitter-appended) ---
"""Pipeline reference for scband-index-put-model-3556232921153 (READ-ONLY COPY).

The authoritative reference and input builder live on the scoring server;
editing this copy changes nothing except your own understanding.
"""

import jax, jax.numpy as jnp
import numpy as np

M = 1000000
D = 64
B = 16384

def setup_inputs(seed: int = 0) -> dict:
    key = jax.random.key(seed)
    k1, k2, k3 = jax.random.split(key, 3)
    x = jax.random.normal(k1, (M, D), dtype=jnp.float32)
    indices = jax.random.randint(k2, (B,), 0, M, dtype=jnp.int32)
    values = jax.random.normal(k3, (B, D), dtype=jnp.float32)
    return {"x": x, "indices": indices, "values": values}

def reference(x, indices, values):
    # torch: result = x.clone(); result.index_put_((indices,), values, accumulate=False)
    # accumulate=False -> scatter-overwrite along dim 0
    result = x.at[indices].set(values)
    return result

if __name__ == "__main__":
    import jax
    _d = setup_inputs()
    print(jax.jit(kernel)(*tuple(_d.values())))

</pallas_src>

<mosaic_0001>
#map = affine_map<(d0, d1) -> (0, 0)>
#map1 = affine_map<(d0, d1) -> (0)>
module attributes {stable_mosaic.version = 14 : i64} {
  func.func @_body(%arg0: i32, %arg1: i32, %arg2: memref<1000000x64xf32, #tpu.memory_space<hbm>>, %arg3: memref<16384x64xf32, #tpu.memory_space<hbm>>, %arg4: memref<16384xi32, #tpu.memory_space<hbm>>, %arg5: memref<1000000x64xf32, #tpu.memory_space<hbm>>, %arg6: memref<1024xi32, #tpu.memory_space<vmem>>, %arg7: memref<1024xi32, #tpu.memory_space<vmem>>, %arg8: memref<8x128xi32, #tpu.memory_space<vmem>>, %arg9: memref<8x128xi32, #tpu.memory_space<vmem>>, %arg10: memref<4096xi32, #tpu.memory_space<vmem>>, %arg11: memref<128xi32, #tpu.memory_space<vmem>>, %arg12: memref<128xi32, #tpu.memory_space<vmem>>, %arg13: memref<128x64xf32, #tpu.memory_space<vmem>>, %arg14: memref<2x256x64xf32, #tpu.memory_space<vmem>>, %arg15: memref<1002048xi32, #tpu.memory_space<vmem_shared>>, %arg16: memref<!tpu.dma_semaphore, #tpu.memory_space<semaphore_mem>>, %arg17: memref<!tpu.dma_semaphore, #tpu.memory_space<semaphore_mem>>, %arg18: memref<!tpu.dma_semaphore, #tpu.memory_space<semaphore_mem>>, %arg19: memref<!tpu.dma_semaphore, #tpu.memory_space<semaphore_mem>>) attributes {dimension_semantics = [#tpu.dimension_semantics<core_parallel>, #tpu.dimension_semantics<subcore_parallel>], iteration_bounds = array<i64: 1, 16>, scalar_prefetch = 0 : i64, scratch_operands = 14 : i64, tpu.core_type = #tpu.core_type<sc_vector_subcore>, window_params = [{transform_indices = #map}, {transform_indices = #map}, {transform_indices = #map1}, {transform_indices = #map}]} {
    %iota3A = tpu.iota {dimensions = array<i32: 0>} : vector<16xi32>
    %broadcast_in_dim3A = arith.constant 0 : i32
    %broadcast_in_dim3A_0 = vector.broadcast %broadcast_in_dim3A : i32 to vector<16xi32>
    %sub3A = arith.constant 1 : i32
    %sub3A_1 = vector.broadcast %sub3A : i32 to vector<16xi32>
    %sub3A_2 = arith.subi %broadcast_in_dim3A_0, %sub3A_1 : vector<16xi32>
    %scan3A = arith.constant 0 : i32
    %scan3A_3 = arith.constant 0 : i32
    %scan3A_4 = arith.constant 256 : i32
    %scan3A_5 = arith.addi %scan3A_3, %scan3A_4 : i32
    %scan3A_6 = arith.constant 1 : i32
    scf.for %scan3A_134 = %scan3A_3 to %scan3A_5 step %scan3A_6  : i32 {
      %mul3A_135 = arith.constant 16 : i32
      %mul3A_136 = arith.muli %scan3A_134, %mul3A_135 : i32
      %swap3A = arith.index_cast %mul3A_136 : i32 to index
      %swap3A_137 = tpu.vector_load %arg10[%swap3A] {strides = array<i32>} : memref<4096xi32, #tpu.memory_space<vmem>>, vector<16xi32>,
      %swap3A_138 = vector.shape_cast %swap3A_137 : vector<16xi32> to vector<16xi32>
      %swap3A_139 = vector.shape_cast %sub3A_2 : vector<16xi32> to vector<16xi32>
      tpu.vector_store %arg10[%swap3A], %swap3A_139 {strides = array<i32>} : memref<4096xi32, #tpu.memory_space<vmem>>, vector<16xi32>,
    }
    %scan3A_7 = arith.constant 256 : i32
    %mul3A = arith.constant 62504 : i32
    %mul3A_8 = arith.muli %arg1, %mul3A : i32
    %scan3A_9 = arith.constant 0 : i32
    %scan3A_10 = arith.constant 0 : i32
    %scan3A_11 = arith.constant 15 : i32
    %scan3A_12 = arith.addi %scan3A_10, %scan3A_11 : i32
    %scan3A_13 = arith.constant 1 : i32
    scf.for %scan3A_134 = %scan3A_10 to %scan3A_12 step %scan3A_13  : i32 {
      %mul3A_135 = arith.constant 4096 : i32
      %mul3A_136 = arith.muli %scan3A_134, %mul3A_135 : i32
      %add3A_137 = arith.addi %mul3A_8, %mul3A_136 : i32
      %dma_start3A_138 = tpu.memref_slice %arg15[%add3A_137] : memref<1002048xi32, #tpu.memory_space<vmem_shared>> -> memref<4096xi32, #tpu.memory_space<vmem_shared>>
      %dma_start3A_139 = tpu.memref_slice %arg15[%add3A_137] : memref<1002048xi32, #tpu.memory_space<vmem_shared>> -> memref<4096xi32, #tpu.memory_space<vmem_shared>>
      tpu.enqueue_dma source(%arg10 : memref<4096xi32, #tpu.memory_space<vmem>>) target(%dma_start3A_139 : memref<4096xi32, #tpu.memory_space<vmem_shared>>) target_semaphore(%arg17 : memref<!tpu.dma_semaphore, #tpu.memory_space<semaphore_mem>>)
    }
    %scan3A_14 = arith.constant 15 : i32
    %add3A = arith.constant 61440 : i32
    %add3A_15 = arith.addi %mul3A_8, %add3A : i32
    %add3A_16 = arith.constant 61440 : i32
    %add3A_17 = arith.addi %mul3A_8, %add3A_16 : i32
    %lt3A = arith.constant 15 : i32
    %lt3A_18 = arith.cmpi slt, %arg1, %lt3A : i32
    %convert_element_type3A = arith.extui %lt3A_18 : i1 to i32
    %cond3A = arith.constant 0 : i32
    %cond3A_19 = arith.cmpi ne, %convert_element_type3A, %cond3A : i32
    scf.if %cond3A_19 {
      %dma_start3A_134 = arith.constant 0 : i32
      %dma_start3A_135 = tpu.memref_slice %arg10[%dma_start3A_134] : memref<4096xi32, #tpu.memory_space<vmem>> -> memref<1064xi32, #tpu.memory_space<vmem>>
      %dma_start3A_136 = tpu.memref_slice %arg15[%add3A_15] : memref<1002048xi32, #tpu.memory_space<vmem_shared>> -> memref<1064xi32, #tpu.memory_space<vmem_shared>>
      %dma_start3A_137 = tpu.memref_slice %arg15[%add3A_15] : memref<1002048xi32, #tpu.memory_space<vmem_shared>> -> memref<1064xi32, #tpu.memory_space<vmem_shared>>
      %dma_start3A_138 = arith.constant 0 : i32
      %dma_start3A_139 = tpu.memref_slice %arg10[%dma_start3A_138] : memref<4096xi32, #tpu.memory_space<vmem>> -> memref<1064xi32, #tpu.memory_space<vmem>>
      tpu.enqueue_dma source(%dma_start3A_139 : memref<1064xi32, #tpu.memory_space<vmem>>) target(%dma_start3A_137 : memref<1064xi32, #tpu.memory_space<vmem_shared>>) target_semaphore(%arg17 : memref<!tpu.dma_semaphore, #tpu.memory_space<semaphore_mem>>)
    } else {
    }
    %eq3A = arith.constant 15 : i32
    %eq3A_20 = arith.cmpi eq, %arg1, %eq3A : i32
    %convert_element_type3A_21 = arith.extui %eq3A_20 : i1 to i32
    %cond3A_22 = arith.constant 0 : i32
    %cond3A_23 = arith.cmpi ne, %convert_element_type3A_21, %cond3A_22 : i32
    scf.if %cond3A_23 {
      %dma_start3A_134 = arith.constant 0 : i32
      %dma_start3A_135 = tpu.memref_slice %arg10[%dma_start3A_134] : memref<4096xi32, #tpu.memory_space<vmem>> -> memref<1000xi32, #tpu.memory_space<vmem>>
      %dma_start3A_136 = tpu.memref_slice %arg15[%add3A_17] : memref<1002048xi32, #tpu.memory_space<vmem_shared>> -> memref<1000xi32, #tpu.memory_space<vmem_shared>>
      %dma_start3A_137 = tpu.memref_slice %arg15[%add3A_17] : memref<1002048xi32, #tpu.memory_space<vmem_shared>> -> memref<1000xi32, #tpu.memory_space<vmem_shared>>
      %dma_start3A_138 = arith.constant 0 : i32
      %dma_start3A_139 = tpu.memref_slice %arg10[%dma_start3A_138] : memref<4096xi32, #tpu.memory_space<vmem>> -> memref<1000xi32, #tpu.memory_space<vmem>>
      tpu.enqueue_dma source(%dma_start3A_139 : memref<1000xi32, #tpu.memory_space<vmem>>) target(%dma_start3A_137 : memref<1000xi32, #tpu.memory_space<vmem_shared>>) target_semaphore(%arg17 : memref<!tpu.dma_semaphore, #tpu.memory_space<semaphore_mem>>)
    } else {
    }
    %mul3A_24 = arith.constant 1024 : i32
    %mul3A_25 = arith.muli %arg1, %mul3A_24 : i32
    "tpu.region"() ({
      %run_scoped3A = tpu.sem_alloc : memref<!tpu.dma_semaphore, #tpu.memory_space<semaphore_mem>>
      %dma_start3A_134 = tpu.memref_slice %arg4[%mul3A_25] : memref<16384xi32, #tpu.memory_space<hbm>> -> memref<1024xi32, #tpu.memory_space<hbm>>
      %dma_start3A_135 = tpu.memref_slice %arg4[%mul3A_25] : memref<16384xi32, #tpu.memory_space<hbm>> -> memref<1024xi32, #tpu.memory_space<hbm>>
      tpu.enqueue_dma source(%dma_start3A_135 : memref<1024xi32, #tpu.memory_space<hbm>>) target(%arg6 : memref<1024xi32, #tpu.memory_space<vmem>>) target_semaphore(%run_scoped3A : memref<!tpu.dma_semaphore, #tpu.memory_space<semaphore_mem>>)
      %dma_wait3A_136 = tpu.memref_slice %arg4[%mul3A_25] : memref<16384xi32, #tpu.memory_space<hbm>> -> memref<1024xi32, #tpu.memory_space<hbm>>
      %dma_wait3A_137 = tpu.memref_slice %arg4[%mul3A_25] : memref<16384xi32, #tpu.memory_space<hbm>> -> memref<1024xi32, #tpu.memory_space<hbm>>
      tpu.wait_dma2 semaphore(%run_scoped3A : memref<!tpu.dma_semaphore, #tpu.memory_space<semaphore_mem>>) src(%dma_wait3A_137 : memref<1024xi32, #tpu.memory_space<hbm>>) dst(%arg6 : memref<1024xi32, #tpu.memory_space<vmem>>)
      tpu.yield
    }) : () -> ()
    %scan3A_26 = arith.constant 0 : i32
    %scan3A_27 = arith.constant 0 : i32
    %scan3A_28 = arith.constant 15 : i32
    %scan3A_29 = arith.addi %scan3A_27, %scan3A_28 : i32
    %scan3A_30 = arith.constant 1 : i32
    scf.for %scan3A_134 = %scan3A_27 to %scan3A_29 step %scan3A_30  : i32 {
      %dma_wait3A_135 = arith.constant 0 : i32
      %dma_wait3A_136 = tpu.memref_slice %arg15[%dma_wait3A_135] : memref<1002048xi32, #tpu.memory_space<vmem_shared>> -> memref<4096xi32, #tpu.memory_space<vmem_shared>>
      %dma_wait3A_137 = arith.constant 0 : i32
      %dma_wait3A_138 = tpu.memref_slice %arg15[%dma_wait3A_137] : memref<1002048xi32, #tpu.memory_space<vmem_shared>> -> memref<4096xi32, #tpu.memory_space<vmem_shared>>
      tpu.wait_dma2 semaphore(%arg17 : memref<!tpu.dma_semaphore, #tpu.memory_space<semaphore_mem>>) src(%arg10 : memref<4096xi32, #tpu.memory_space<vmem>>) dst(%dma_wait3A_138 : memref<4096xi32, #tpu.memory_space<vmem_shared>>)
    }
    %scan3A_31 = arith.constant 15 : i32
    %lt3A_32 = arith.constant 15 : i32
    %lt3A_33 = arith.cmpi slt, %arg1, %lt3A_32 : i32
    %convert_element_type3A_34 = arith.extui %lt3A_33 : i1 to i32
    %cond3A_35 = arith.constant 0 : i32
    %cond3A_36 = arith.cmpi ne, %convert_element_type3A_34, %cond3A_35 : i32
    scf.if %cond3A_36 {
      %dma_wait3A_134 = arith.constant 0 : i32
      %dma_wait3A_135 = tpu.memref_slice %arg10[%dma_wait3A_134] : memref<4096xi32, #tpu.memory_space<vmem>> -> memref<1064xi32, #tpu.memory_space<vmem>>
      %dma_wait3A_136 = tpu.memref_slice %arg15[%add3A_15] : memref<1002048xi32, #tpu.memory_space<vmem_shared>> -> memref<1064xi32, #tpu.memory_space<vmem_shared>>
      %dma_wait3A_137 = tpu.memref_slice %arg15[%add3A_15] : memref<1002048xi32, #tpu.memory_space<vmem_shared>> -> memref<1064xi32, #tpu.memory_space<vmem_shared>>
      %dma_wait3A_138 = arith.constant 0 : i32
      %dma_wait3A_139 = tpu.memref_slice %arg10[%dma_wait3A_138] : memref<4096xi32, #tpu.memory_space<vmem>> -> memref<1064xi32, #tpu.memory_space<vmem>>
      tpu.wait_dma2 semaphore(%arg17 : memref<!tpu.dma_semaphore, #tpu.memory_space<semaphore_mem>>) src(%dma_wait3A_139 : memref<1064xi32, #tpu.memory_space<vmem>>) dst(%dma_wait3A_137 : memref<1064xi32, #tpu.memory_space<vmem_shared>>)
    } else {
    }
    %eq3A_37 = arith.constant 15 : i32
    %eq3A_38 = arith.cmpi eq, %arg1, %eq3A_37 : i32
    %convert_element_type3A_39 = arith.extui %eq3A_38 : i1 to i32
    %cond3A_40 = arith.constant 0 : i32
    %cond3A_41 = arith.cmpi ne, %convert_element_type3A_39, %cond3A_40 : i32
    scf.if %cond3A_41 {
      %dma_wait3A_134 = arith.constant 0 : i32
      %dma_wait3A_135 = tpu.memref_slice %arg10[%dma_wait3A_134] : memref<4096xi32, #tpu.memory_space<vmem>> -> memref<1000xi32, #tpu.memory_space<vmem>>
      %dma_wait3A_136 = tpu.memref_slice %arg15[%add3A_17] : memref<1002048xi32, #tpu.memory_space<vmem_shared>> -> memref<1000xi32, #tpu.memory_space<vmem_shared>>
      %dma_wait3A_137 = tpu.memref_slice %arg15[%add3A_17] : memref<1002048xi32, #tpu.memory_space<vmem_shared>> -> memref<1000xi32, #tpu.memory_space<vmem_shared>>
      %dma_wait3A_138 = arith.constant 0 : i32
      %dma_wait3A_139 = tpu.memref_slice %arg10[%dma_wait3A_138] : memref<4096xi32, #tpu.memory_space<vmem>> -> memref<1000xi32, #tpu.memory_space<vmem>>
      tpu.wait_dma2 semaphore(%arg17 : memref<!tpu.dma_semaphore, #tpu.memory_space<semaphore_mem>>) src(%dma_wait3A_139 : memref<1000xi32, #tpu.memory_space<vmem>>) dst(%dma_wait3A_137 : memref<1000xi32, #tpu.memory_space<vmem_shared>>)
    } else {
    }
    %barrier3A = arith.constant 0 : index
    tpu.barrier barrier_id(%barrier3A)
    %mul3A_42 = arith.constant 128 : i32
    %mul3A_43 = arith.muli %arg1, %mul3A_42 : i32
    %add3A_44 = arith.constant 1000000 : i32
    %add3A_45 = arith.addi %add3A_44, %mul3A_43 : i32
    %mul3A_46 = arith.constant 1024 : i32
    %mul3A_47 = arith.muli %arg1, %mul3A_46 : i32
    %scan3A_48 = arith.constant 0 : i32
    %scan3A_49 = arith.constant 0 : i32
    %scan3A_50 = arith.constant 8 : i32
    %scan3A_51 = arith.addi %scan3A_49, %scan3A_50 : i32
    %scan3A_52 = arith.constant 1 : i32
    scf.for %scan3A_134 = %scan3A_49 to %scan3A_51 step %scan3A_52  : i32 {
      %scan3A_135 = arith.constant 0 : i32
      %scan3A_136 = arith.constant 0 : i32
      %scan3A_137 = arith.constant 8 : i32
      %scan3A_138 = arith.addi %scan3A_136, %scan3A_137 : i32
      %scan3A_139 = arith.constant 1 : i32
      scf.for %scan3A_149 = %scan3A_136 to %scan3A_138 step %scan3A_139  : i32 {
        %mul3A_150 = arith.constant 128 : i32
        %mul3A_151 = arith.muli %scan3A_134, %mul3A_150 : i32
        %mul3A_152 = arith.constant 16 : i32
        %mul3A_153 = arith.muli %scan3A_149, %mul3A_152 : i32
        %add3A_154 = arith.addi %mul3A_151, %mul3A_153 : i32
        %get3A = arith.index_cast %add3A_154 : i32 to index
        %get3A_155 = tpu.vector_load %arg6[%get3A] {strides = array<i32>} : memref<1024xi32, #tpu.memory_space<vmem>>, vector<16xi32>,
        %get3A_156 = vector.shape_cast %get3A_155 : vector<16xi32> to vector<16xi32>
        %mul3A_157 = arith.constant 16 : i32
        %mul3A_158 = arith.muli %scan3A_149, %mul3A_157 : i32
        %swap3A = arith.index_cast %scan3A_134 : i32 to index
        %swap3A_159 = arith.index_cast %mul3A_158 : i32 to index
        %swap3A_160 = tpu.vector_load %arg8[%swap3A, %swap3A_159] {strides = array<i32>} : memref<8x128xi32, #tpu.memory_space<vmem>>, vector<1x16xi32>,
        %swap3A_161 = vector.shape_cast %swap3A_160 : vector<1x16xi32> to vector<16xi32>
        %swap3A_162 = vector.shape_cast %get3A_156 : vector<16xi32> to vector<1x16xi32>
        tpu.vector_store %arg8[%swap3A, %swap3A_159], %swap3A_162 {strides = array<i32>} : memref<8x128xi32, #tpu.memory_space<vmem>>, vector<1x16xi32>,
        %mul3A_163 = arith.constant 128 : i32
        %mul3A_164 = arith.muli %scan3A_134, %mul3A_163 : i32
        %add3A_165 = arith.addi %mul3A_47, %mul3A_164 : i32
        %mul3A_166 = arith.constant 16 : i32
        %mul3A_167 = arith.muli %scan3A_149, %mul3A_166 : i32
        %add3A_168 = arith.addi %add3A_165, %mul3A_167 : i32
        %add3A_169 = vector.broadcast %add3A_168 : i32 to vector<16xi32>
        %add3A_170 = arith.addi %iota3A, %add3A_169 : vector<16xi32>
        %mul3A_171 = arith.constant 16 : i32
        %mul3A_172 = arith.muli %scan3A_149, %mul3A_171 : i32
        %swap3A_173 = arith.index_cast %scan3A_134 : i32 to index
        %swap3A_174 = arith.index_cast %mul3A_172 : i32 to index
        %swap3A_175 = tpu.vector_load %arg9[%swap3A_173, %swap3A_174] {strides = array<i32>} : memref<8x128xi32, #tpu.memory_space<vmem>>, vector<1x16xi32>,
        %swap3A_176 = vector.shape_cast %swap3A_175 : vector<1x16xi32> to vector<16xi32>
        %swap3A_177 = vector.shape_cast %add3A_170 : vector<16xi32> to vector<1x16xi32>
        tpu.vector_store %arg9[%swap3A_173, %swap3A_174], %swap3A_177 {strides = array<i32>} : memref<8x128xi32, #tpu.memory_space<vmem>>, vector<1x16xi32>,
      }
      %scan3A_140 = arith.constant 8 : i32
      %dma_start3A_141 = arith.constant 0 : i32
      %dma_start3A_142 = tpu.memref_slice %arg9[%scan3A_134, %dma_start3A_141] : memref<8x128xi32, #tpu.memory_space<vmem>> -> memref<1x128xi32, #tpu.memory_space<vmem>>
      %dma_start3A_143 = tpu.memref_squeeze %dma_start3A_142 : memref<1x128xi32, #tpu.memory_space<vmem>> -> memref<128xi32, #tpu.memory_space<vmem>>
      %dma_start3A_144 = arith.constant 0 : i32
      %dma_start3A_145 = tpu.memref_slice %arg8[%scan3A_134, %dma_start3A_144] : memref<8x128xi32, #tpu.memory_space<vmem>> -> memref<1x128xi32, #tpu.memory_space<vmem>>
      %dma_start3A_146 = tpu.memref_squeeze %dma_start3A_145 : memref<1x128xi32, #tpu.memory_space<vmem>> -> memref<128xi32, #tpu.memory_space<vmem>>
      %dma_start3A_147 = arith.constant 0 : i32
      %dma_start3A_148 = tpu.memref_slice %arg15[%dma_start3A_147] : memref<1002048xi32, #tpu.memory_space<vmem_shared>> -> memref<1002048xi32, #tpu.memory_space<vmem_shared>>
      tpu.enqueue_indirect_dma source(%dma_start3A_143 : memref<128xi32, #tpu.memory_space<vmem>>) target(%dma_start3A_148 : memref<1002048xi32, #tpu.memory_space<vmem_shared>>) offsets(%dma_start3A_146 : memref<128xi32, #tpu.memory_space<vmem>>) semaphore(%arg17 : memref<!tpu.dma_semaphore, #tpu.memory_space<semaphore_mem>>)
    }
    %scan3A_53 = arith.constant 8 : i32
    %scan3A_54 = arith.constant 0 : i32
    %scan3A_55 = arith.constant 0 : i32
    %scan3A_56 = arith.constant 8 : i32
    %scan3A_57 = arith.addi %scan3A_55, %scan3A_56 : i32
    %scan3A_58 = arith.constant 1 : i32
    scf.for %scan3A_134 = %scan3A_55 to %scan3A_57 step %scan3A_58  : i32 {
      %dma_wait3A_135 = arith.constant 0 : i32
      %dma_wait3A_136 = arith.constant 0 : i32
      %dma_wait3A_137 = arith.constant 0 : i32
      %dma_wait3A_138 = tpu.memref_slice %arg9[%dma_wait3A_135, %dma_wait3A_137] : memref<8x128xi32, #tpu.memory_space<vmem>> -> memref<1x128xi32, #tpu.memory_space<vmem>>
      %dma_wait3A_139 = tpu.memref_squeeze %dma_wait3A_138 : memref<1x128xi32, #tpu.memory_space<vmem>> -> memref<128xi32, #tpu.memory_space<vmem>>
      %dma_wait3A_140 = arith.constant 0 : i32
      %dma_wait3A_141 = tpu.memref_slice %arg8[%dma_wait3A_136, %dma_wait3A_140] : memref<8x128xi32, #tpu.memory_space<vmem>> -> memref<1x128xi32, #tpu.memory_space<vmem>>
      %dma_wait3A_142 = tpu.memref_squeeze %dma_wait3A_141 : memref<1x128xi32, #tpu.memory_space<vmem>> -> memref<128xi32, #tpu.memory_space<vmem>>
      %dma_wait3A_143 = arith.constant 0 : i32
      %dma_wait3A_144 = tpu.memref_slice %arg15[%dma_wait3A_143] : memref<1002048xi32, #tpu.memory_space<vmem_shared>> -> memref<1002048xi32, #tpu.memory_space<vmem_shared>>
      tpu.wait_indirect_dma semaphore(%arg17 : memref<!tpu.dma_semaphore, #tpu.memory_space<semaphore_mem>>) src(%dma_wait3A_139 : memref<128xi32, #tpu.memory_space<vmem>>) dst(%dma_wait3A_144 : memref<1002048xi32, #tpu.memory_space<vmem_shared>>)
    }
    %scan3A_59 = arith.constant 8 : i32
    %barrier3A_60 = arith.constant 0 : index
    tpu.barrier barrier_id(%barrier3A_60)
    %scan3A_61 = arith.constant 0 : i32
    %scan3A_62 = arith.constant 0 : i32
    %scan3A_63 = arith.constant 4 : i32
    %scan3A_64 = arith.addi %scan3A_62, %scan3A_63 : i32
    %scan3A_65 = arith.constant 1 : i32
    scf.for %scan3A_134 = %scan3A_62 to %scan3A_64 step %scan3A_65  : i32 {
      %scan3A_135 = arith.constant 0 : i32
      %scan3A_136 = arith.constant 0 : i32
      %scan3A_137 = arith.constant 8 : i32
      %scan3A_138 = arith.addi %scan3A_136, %scan3A_137 : i32
      %scan3A_139 = arith.constant 1 : i32
      scf.for %scan3A_161 = %scan3A_136 to %scan3A_138 step %scan3A_139  : i32 {
        %mul3A_162 = arith.constant 128 : i32
        %mul3A_163 = arith.muli %scan3A_161, %mul3A_162 : i32
        %mul3A_164 = arith.constant 128 : i32
        %mul3A_165 = arith.muli %scan3A_161, %mul3A_164 : i32
        %dma_start3A_166 = tpu.memref_slice %arg7[%mul3A_165] : memref<1024xi32, #tpu.memory_space<vmem>> -> memref<128xi32, #tpu.memory_space<vmem>>
        %dma_start3A_167 = tpu.memref_slice %arg6[%mul3A_163] : memref<1024xi32, #tpu.memory_space<vmem>> -> memref<128xi32, #tpu.memory_space<vmem>>
        %dma_start3A_168 = arith.constant 0 : i32
        %dma_start3A_169 = tpu.memref_slice %arg15[%dma_start3A_168] : memref<1002048xi32, #tpu.memory_space<vmem_shared>> -> memref<1002048xi32, #tpu.memory_space<vmem_shared>>
        tpu.enqueue_indirect_dma source(%dma_start3A_169 : memref<1002048xi32, #tpu.memory_space<vmem_shared>>) target(%dma_start3A_166 : memref<128xi32, #tpu.memory_space<vmem>>) offsets(%dma_start3A_167 : memref<128xi32, #tpu.memory_space<vmem>>) semaphore(%arg16 : memref<!tpu.dma_semaphore, #tpu.memory_space<semaphore_mem>>)
      }
      %scan3A_140 = arith.constant 8 : i32
      %scan3A_141 = arith.constant 0 : i32
      %scan3A_142 = arith.constant 0 : i32
      %scan3A_143 = arith.constant 8 : i32
      %scan3A_144 = arith.addi %scan3A_142, %scan3A_143 : i32
      %scan3A_145 = arith.constant 1 : i32
      scf.for %scan3A_161 = %scan3A_142 to %scan3A_144 step %scan3A_145  : i32 {
        %dma_wait3A_162 = arith.constant 0 : i32
        %dma_wait3A_163 = tpu.memref_slice %arg7[%dma_wait3A_162] : memref<1024xi32, #tpu.memory_space<vmem>> -> memref<128xi32, #tpu.memory_space<vmem>>
        %dma_wait3A_164 = arith.constant 0 : i32
        %dma_wait3A_165 = tpu.memref_slice %arg6[%dma_wait3A_164] : memref<1024xi32, #tpu.memory_space<vmem>> -> memref<128xi32, #tpu.memory_space<vmem>>
        %dma_wait3A_166 = arith.constant 0 : i32
        %dma_wait3A_167 = tpu.memref_slice %arg15[%dma_wait3A_166] : memref<1002048xi32, #tpu.memory_space<vmem_shared>> -> memref<1002048xi32, #tpu.memory_space<vmem_shared>>
        tpu.wait_indirect_dma semaphore(%arg16 : memref<!tpu.dma_semaphore, #tpu.memory_space<semaphore_mem>>) src(%dma_wait3A_167 : memref<1002048xi32, #tpu.memory_space<vmem_shared>>) dst(%dma_wait3A_163 : memref<128xi32, #tpu.memory_space<vmem>>)
      }
      %scan3A_146 = arith.constant 8 : i32
      %barrier3A_147 = arith.constant 0 : index
      tpu.barrier barrier_id(%barrier3A_147)
      %scan3A_148 = arith.constant 0 : i32
      %scan3A_149 = arith.constant 0 : i32
      %scan3A_150 = arith.constant 8 : i32
      %scan3A_151 = arith.addi %scan3A_149, %scan3A_150 : i32
      %scan3A_152 = arith.constant 1 : i32
      scf.for %scan3A_161 = %scan3A_149 to %scan3A_151 step %scan3A_152  : i32 {
        %scan3A_162 = arith.constant 0 : i32
        %scan3A_163 = arith.constant 0 : i32
        %scan3A_164 = arith.constant 8 : i32
        %scan3A_165 = arith.addi %scan3A_163, %scan3A_164 : i32
        %scan3A_166 = arith.constant 1 : i32
        scf.for %scan3A_176 = %scan3A_163 to %scan3A_165 step %scan3A_166  : i32 {
          %mul3A_177 = arith.constant 128 : i32
          %mul3A_178 = arith.muli %scan3A_161, %mul3A_177 : i32
          %mul3A_179 = arith.constant 16 : i32
          %mul3A_180 = arith.muli %scan3A_176, %mul3A_179 : i32
          %add3A_181 = arith.addi %mul3A_178, %mul3A_180 : i32
          %get3A = arith.index_cast %add3A_181 : i32 to index
          %get3A_182 = tpu.vector_load %arg6[%get3A] {strides = array<i32>} : memref<1024xi32, #tpu.memory_space<vmem>>, vector<16xi32>,
          %get3A_183 = vector.shape_cast %get3A_182 : vector<16xi32> to vector<16xi32>
          %mul3A_184 = arith.constant 128 : i32
          %mul3A_185 = arith.muli %scan3A_161, %mul3A_184 : i32
          %mul3A_186 = arith.constant 16 : i32
          %mul3A_187 = arith.muli %scan3A_176, %mul3A_186 : i32
          %add3A_188 = arith.addi %mul3A_185, %mul3A_187 : i32
          %get3A_189 = arith.index_cast %add3A_188 : i32 to index
          %get3A_190 = tpu.vector_load %arg7[%get3A_189] {strides = array<i32>} : memref<1024xi32, #tpu.memory_space<vmem>>, vector<16xi32>,
          %get3A_191 = vector.shape_cast %get3A_190 : vector<16xi32> to vector<16xi32>
          %mul3A_192 = arith.constant 128 : i32
          %mul3A_193 = arith.muli %scan3A_161, %mul3A_192 : i32
          %add3A_194 = arith.addi %mul3A_47, %mul3A_193 : i32
          %mul3A_195 = arith.constant 16 : i32
          %mul3A_196 = arith.muli %scan3A_176, %mul3A_195 : i32
          %add3A_197 = arith.addi %add3A_194, %mul3A_196 : i32
          %add3A_198 = vector.broadcast %add3A_197 : i32 to vector<16xi32>
          %add3A_199 = arith.addi %iota3A, %add3A_198 : vector<16xi32>
          %lt3A_200 = arith.cmpi slt, %get3A_191, %add3A_199 : vector<16xi32>
          %jit3A = arith.constant 1 : i32
          %jit3A_201 = arith.constant 0 : i32
          %broadcast_in_dim3A_202 = vector.broadcast %jit3A : i32 to vector<16xi32>
          %broadcast_in_dim3A_203 = vector.broadcast %jit3A_201 : i32 to vector<16xi32>
          %select_n3A = arith.select %lt3A_200, %broadcast_in_dim3A_202, %broadcast_in_dim3A_203 : vector<16xi1>, vector<16xi32>
          %mul3A_204 = arith.muli %get3A_183, %select_n3A : vector<16xi32>
          %mul3A_205 = arith.constant 16 : i32
          %mul3A_206 = arith.muli %scan3A_176, %mul3A_205 : i32
          %add3A_207 = arith.addi %add3A_45, %mul3A_206 : i32
          %add3A_208 = vector.broadcast %add3A_207 : i32 to vector<16xi32>
          %add3A_209 = arith.addi %add3A_208, %iota3A : vector<16xi32>
          %sub3A_210 = arith.constant 1 : i32
          %sub3A_211 = vector.broadcast %sub3A_210 : i32 to vector<16xi32>
          %sub3A_212 = arith.subi %sub3A_211, %select_n3A : vector<16xi32>
          %mul3A_213 = arith.muli %add3A_209, %sub3A_212 : vector<16xi32>
          %add3A_214 = arith.addi %mul3A_204, %mul3A_213 : vector<16xi32>
          %mul3A_215 = arith.constant 16 : i32
          %mul3A_216 = arith.muli %scan3A_176, %mul3A_215 : i32
          %swap3A = arith.index_cast %scan3A_161 : i32 to index
          %swap3A_217 = arith.index_cast %mul3A_216 : i32 to index
          %swap3A_218 = tpu.vector_load %arg8[%swap3A, %swap3A_217] {strides = array<i32>} : memref<8x128xi32, #tpu.memory_space<vmem>>, vector<1x16xi32>,
          %swap3A_219 = vector.shape_cast %swap3A_218 : vector<1x16xi32> to vector<16xi32>
          %swap3A_220 = vector.shape_cast %add3A_214 : vector<16xi32> to vector<1x16xi32>
          tpu.vector_store %arg8[%swap3A, %swap3A_217], %swap3A_220 {strides = array<i32>} : memref<8x128xi32, #tpu.memory_space<vmem>>, vector<1x16xi32>,
        }
        %scan3A_167 = arith.constant 8 : i32
        %dma_start3A_168 = arith.constant 0 : i32
        %dma_start3A_169 = tpu.memref_slice %arg9[%scan3A_161, %dma_start3A_168] : memref<8x128xi32, #tpu.memory_space<vmem>> -> memref<1x128xi32, #tpu.memory_space<vmem>>
        %dma_start3A_170 = tpu.memref_squeeze %dma_start3A_169 : memref<1x128xi32, #tpu.memory_space<vmem>> -> memref<128xi32, #tpu.memory_space<vmem>>
        %dma_start3A_171 = arith.constant 0 : i32
        %dma_start3A_172 = tpu.memref_slice %arg8[%scan3A_161, %dma_start3A_171] : memref<8x128xi32, #tpu.memory_space<vmem>> -> memref<1x128xi32, #tpu.memory_space<vmem>>
        %dma_start3A_173 = tpu.memref_squeeze %dma_start3A_172 : memref<1x128xi32, #tpu.memory_space<vmem>> -> memref<128xi32, #tpu.memory_space<vmem>>
        %dma_start3A_174 = arith.constant 0 : i32
        %dma_start3A_175 = tpu.memref_slice %arg15[%dma_start3A_174] : memref<1002048xi32, #tpu.memory_space<vmem_shared>> -> memref<1002048xi32, #tpu.memory_space<vmem_shared>>
        tpu.enqueue_indirect_dma source(%dma_start3A_170 : memref<128xi32, #tpu.memory_space<vmem>>) target(%dma_start3A_175 : memref<1002048xi32, #tpu.memory_space<vmem_shared>>) offsets(%dma_start3A_173 : memref<128xi32, #tpu.memory_space<vmem>>) semaphore(%arg17 : memref<!tpu.dma_semaphore, #tpu.memory_space<semaphore_mem>>)
      }
      %scan3A_153 = arith.constant 8 : i32
      %scan3A_154 = arith.constant 0 : i32
      %scan3A_155 = arith.constant 0 : i32
      %scan3A_156 = arith.constant 8 : i32
      %scan3A_157 = arith.addi %scan3A_155, %scan3A_156 : i32
      %scan3A_158 = arith.constant 1 : i32
      scf.for %scan3A_161 = %scan3A_155 to %scan3A_157 step %scan3A_158  : i32 {
        %dma_wait3A_162 = arith.constant 0 : i32
        %dma_wait3A_163 = arith.constant 0 : i32
        %dma_wait3A_164 = arith.constant 0 : i32
        %dma_wait3A_165 = tpu.memref_slice %arg9[%dma_wait3A_162, %dma_wait3A_164] : memref<8x128xi32, #tpu.memory_space<vmem>> -> memref<1x128xi32, #tpu.memory_space<vmem>>
        %dma_wait3A_166 = tpu.memref_squeeze %dma_wait3A_165 : memref<1x128xi32, #tpu.memory_space<vmem>> -> memref<128xi32, #tpu.memory_space<vmem>>
        %dma_wait3A_167 = arith.constant 0 : i32
        %dma_wait3A_168 = tpu.memref_slice %arg8[%dma_wait3A_163, %dma_wait3A_167] : memref<8x128xi32, #tpu.memory_space<vmem>> -> memref<1x128xi32, #tpu.memory_space<vmem>>
        %dma_wait3A_169 = tpu.memref_squeeze %dma_wait3A_168 : memref<1x128xi32, #tpu.memory_space<vmem>> -> memref<128xi32, #tpu.memory_space<vmem>>
        %dma_wait3A_170 = arith.constant 0 : i32
        %dma_wait3A_171 = tpu.memref_slice %arg15[%dma_wait3A_170] : memref<1002048xi32, #tpu.memory_space<vmem_shared>> -> memref<1002048xi32, #tpu.memory_space<vmem_shared>>
        tpu.wait_indirect_dma semaphore(%arg17 : memref<!tpu.dma_semaphore, #tpu.memory_space<semaphore_mem>>) src(%dma_wait3A_166 : memref<128xi32, #tpu.memory_space<vmem>>) dst(%dma_wait3A_171 : memref<1002048xi32, #tpu.memory_space<vmem_shared>>)
      }
      %scan3A_159 = arith.constant 8 : i32
      %barrier3A_160 = arith.constant 0 : index
      tpu.barrier barrier_id(%barrier3A_160)
    }
    %scan3A_66 = arith.constant 4 : i32
    %mul3A_67 = arith.constant 62496 : i32
    %mul3A_68 = arith.muli %arg1, %mul3A_67 : i32
    %add3A_69 = arith.constant 0 : i32
    %add3A_70 = arith.addi %mul3A_68, %add3A_69 : i32
    %dma_start3A = arith.constant 0 : i32
    %dma_start3A_71 = arith.constant 0 : i32
    %dma_start3A_72 = arith.constant 0 : i32
    %dma_start3A_73 = tpu.memref_slice %arg14[%dma_start3A, %dma_start3A_71, %dma_start3A_72] : memref<2x256x64xf32, #tpu.memory_space<vmem>> -> memref<1x256x64xf32, #tpu.memory_space<vmem>>
    %dma_start3A_74 = tpu.memref_squeeze %dma_start3A_73 : memref<1x256x64xf32, #tpu.memory_space<vmem>> -> memref<256x64xf32, #tpu.memory_space<vmem>>
    %dma_start3A_75 = arith.constant 0 : i32
    %dma_start3A_76 = tpu.memref_slice %arg2[%add3A_70, %dma_start3A_75] : memref<1000000x64xf32, #tpu.memory_space<hbm>> -> memref<256x64xf32, #tpu.memory_space<hbm>>
    %dma_start3A_77 = arith.constant 0 : i32
    %dma_start3A_78 = arith.constant 0 : i32
    %dma_start3A_79 = tpu.memref_slice %arg14[%dma_start3A, %dma_start3A_77, %dma_start3A_78] : memref<2x256x64xf32, #tpu.memory_space<vmem>> -> memref<1x256x64xf32, #tpu.memory_space<vmem>>
    %dma_start3A_80 = tpu.memref_squeeze %dma_start3A_79 : memref<1x256x64xf32, #tpu.memory_space<vmem>> -> memref<256x64xf32, #tpu.memory_space<vmem>>
    %dma_start3A_81 = arith.constant 0 : i32
    %dma_start3A_82 = tpu.memref_slice %arg2[%add3A_70, %dma_start3A_81] : memref<1000000x64xf32, #tpu.memory_space<hbm>> -> memref<256x64xf32, #tpu.memory_space<hbm>>
    tpu.enqueue_dma source(%dma_start3A_82 : memref<256x64xf32, #tpu.memory_space<hbm>>) target(%dma_start3A_80 : memref<256x64xf32, #tpu.memory_space<vmem>>) target_semaphore(%arg18 : memref<!tpu.dma_semaphore, #tpu.memory_space<semaphore_mem>>)
    %scan3A_83 = arith.constant 0 : i32
    %scan3A_84 = arith.constant 0 : i32
    %scan3A_85 = arith.constant 244 : i32
    %scan3A_86 = arith.addi %scan3A_84, %scan3A_85 : i32
    %scan3A_87 = arith.constant 1 : i32
    scf.for %scan3A_134 = %scan3A_84 to %scan3A_86 step %scan3A_87  : i32 {
      %jit3A = arith.constant 2 : i32
      %eq3A_135 = arith.constant 0 : i32
      %eq3A_136 = arith.cmpi eq, %jit3A, %eq3A_135 : i32
      %jit3A_137 = arith.constant 1 : i32
      %select_n3A = arith.select %eq3A_136, %jit3A_137, %jit3A : i32
      %rem3A = arith.remsi %scan3A_134, %select_n3A : i32
      %ne3A = arith.constant 0 : i32
      %ne3A_138 = arith.cmpi ne, %rem3A, %ne3A : i32
      %lt3A_139 = arith.constant 0 : i32
      %lt3A_140 = arith.cmpi slt, %rem3A, %lt3A_139 : i32
      %lt3A_141 = arith.constant 0 : i32
      %lt3A_142 = arith.cmpi slt, %select_n3A, %lt3A_141 : i32
      %ne3A_143 = arith.xori %lt3A_140, %lt3A_142 : i1
      %and3A = arith.andi %ne3A_143, %ne3A_138 : i1
      %add3A_144 = arith.addi %rem3A, %select_n3A : i32
      %select_n3A_145 = arith.select %and3A, %add3A_144, %rem3A : i32
      %ge3A = arith.constant 1 : i32
      %ge3A_146 = arith.cmpi sge, %scan3A_134, %ge3A : i32
      %convert_element_type3A_147 = arith.extui %ge3A_146 : i1 to i32
      %cond3A_148 = arith.constant 0 : i32
      %cond3A_149 = arith.cmpi ne, %convert_element_type3A_147, %cond3A_148 : i32
      scf.if %cond3A_149 {
        %add3A_187 = arith.constant 0 : i32
        %add3A_188 = arith.addi %mul3A_68, %add3A_187 : i32
        %dma_wait3A_189 = arith.constant 0 : i32
        %dma_wait3A_190 = arith.constant 0 : i32
        %dma_wait3A_191 = arith.constant 0 : i32
        %dma_wait3A_192 = tpu.memref_slice %arg14[%dma_wait3A_189, %dma_wait3A_190, %dma_wait3A_191] : memref<2x256x64xf32, #tpu.memory_space<vmem>> -> memref<1x256x64xf32, #tpu.memory_space<vmem>>
        %dma_wait3A_193 = tpu.memref_squeeze %dma_wait3A_192 : memref<1x256x64xf32, #tpu.memory_space<vmem>> -> memref<256x64xf32, #tpu.memory_space<vmem>>
        %dma_wait3A_194 = arith.constant 0 : i32
        %dma_wait3A_195 = tpu.memref_slice %arg5[%add3A_188, %dma_wait3A_194] : memref<1000000x64xf32, #tpu.memory_space<hbm>> -> memref<256x64xf32, #tpu.memory_space<hbm>>
        %dma_wait3A_196 = arith.constant 0 : i32
        %dma_wait3A_197 = tpu.memref_slice %arg5[%add3A_188, %dma_wait3A_196] : memref<1000000x64xf32, #tpu.memory_space<hbm>> -> memref<256x64xf32, #tpu.memory_space<hbm>>
        %dma_wait3A_198 = arith.constant 0 : i32
        %dma_wait3A_199 = arith.constant 0 : i32
        %dma_wait3A_200 = tpu.memref_slice %arg14[%dma_wait3A_189, %dma_wait3A_198, %dma_wait3A_199] : memref<2x256x64xf32, #tpu.memory_space<vmem>> -> memref<1x256x64xf32, #tpu.memory_space<vmem>>
        %dma_wait3A_201 = tpu.memref_squeeze %dma_wait3A_200 : memref<1x256x64xf32, #tpu.memory_space<vmem>> -> memref<256x64xf32, #tpu.memory_space<vmem>>
        tpu.wait_dma2 semaphore(%arg19 : memref<!tpu.dma_semaphore, #tpu.memory_space<semaphore_mem>>) src(%dma_wait3A_201 : memref<256x64xf32, #tpu.memory_space<vmem>>) dst(%dma_wait3A_197 : memref<256x64xf32, #tpu.memory_space<hbm>>)
      } else {
      }
      %add3A_150 = arith.constant 1 : i32
      %add3A_151 = arith.addi %scan3A_134, %add3A_150 : i32
      %lt3A_152 = arith.constant 244 : i32
      %lt3A_153 = arith.cmpi slt, %add3A_151, %lt3A_152 : i32
      %convert_element_type3A_154 = arith.extui %lt3A_153 : i1 to i32
      %cond3A_155 = arith.constant 0 : i32
      %cond3A_156 = arith.cmpi ne, %convert_element_type3A_154, %cond3A_155 : i32
      scf.if %cond3A_156 {
        %add3A_187 = arith.constant 1 : i32
        %add3A_188 = arith.addi %scan3A_134, %add3A_187 : i32
        %sub3A_189 = arith.constant 1 : i32
        %sub3A_190 = arith.subi %sub3A_189, %select_n3A_145 : i32
        %mul3A_191 = arith.constant 256 : i32
        %mul3A_192 = arith.muli %add3A_188, %mul3A_191 : i32
        %add3A_193 = arith.addi %mul3A_68, %mul3A_192 : i32
        %dma_start3A_194 = arith.constant 0 : i32
        %dma_start3A_195 = arith.constant 0 : i32
        %dma_start3A_196 = tpu.memref_slice %arg14[%sub3A_190, %dma_start3A_194, %dma_start3A_195] : memref<2x256x64xf32, #tpu.memory_space<vmem>> -> memref<1x256x64xf32, #tpu.memory_space<vmem>>
        %dma_start3A_197 = tpu.memref_squeeze %dma_start3A_196 : memref<1x256x64xf32, #tpu.memory_space<vmem>> -> memref<256x64xf32, #tpu.memory_space<vmem>>
        %dma_start3A_198 = arith.constant 0 : i32
        %dma_start3A_199 = tpu.memref_slice %arg2[%add3A_193, %dma_start3A_198] : memref<1000000x64xf32, #tpu.memory_space<hbm>> -> memref<256x64xf32, #tpu.memory_space<hbm>>
        %dma_start3A_200 = arith.constant 0 : i32
        %dma_start3A_201 = arith.constant 0 : i32
        %dma_start3A_202 = tpu.memref_slice %arg14[%sub3A_190, %dma_start3A_200, %dma_start3A_201] : memref<2x256x64xf32, #tpu.memory_space<vmem>> -> memref<1x256x64xf32, #tpu.memory_space<vmem>>
        %dma_start3A_203 = tpu.memref_squeeze %dma_start3A_202 : memref<1x256x64xf32, #tpu.memory_space<vmem>> -> memref<256x64xf32, #tpu.memory_space<vmem>>
        %dma_start3A_204 = arith.constant 0 : i32
        %dma_start3A_205 = tpu.memref_slice %arg2[%add3A_193, %dma_start3A_204] : memref<1000000x64xf32, #tpu.memory_space<hbm>> -> memref<256x64xf32, #tpu.memory_space<hbm>>
        tpu.enqueue_dma source(%dma_start3A_205 : memref<256x64xf32, #tpu.memory_space<hbm>>) target(%dma_start3A_203 : memref<256x64xf32, #tpu.memory_space<vmem>>) target_semaphore(%arg18 : memref<!tpu.dma_semaphore, #tpu.memory_space<semaphore_mem>>)
      } else {
      }
      %add3A_157 = arith.constant 0 : i32
      %add3A_158 = arith.addi %mul3A_68, %add3A_157 : i32
      %dma_wait3A_159 = arith.constant 0 : i32
      %dma_wait3A_160 = arith.constant 0 : i32
      %dma_wait3A_161 = arith.constant 0 : i32
      %dma_wait3A_162 = tpu.memref_slice %arg14[%dma_wait3A_159, %dma_wait3A_160, %dma_wait3A_161] : memref<2x256x64xf32, #tpu.memory_space<vmem>> -> memref<1x256x64xf32, #tpu.memory_space<vmem>>
      %dma_wait3A_163 = tpu.memref_squeeze %dma_wait3A_162 : memref<1x256x64xf32, #tpu.memory_space<vmem>> -> memref<256x64xf32, #tpu.memory_space<vmem>>
      %dma_wait3A_164 = arith.constant 0 : i32
      %dma_wait3A_165 = tpu.memref_slice %arg2[%add3A_158, %dma_wait3A_164] : memref<1000000x64xf32, #tpu.memory_space<hbm>> -> memref<256x64xf32, #tpu.memory_space<hbm>>
      %dma_wait3A_166 = arith.constant 0 : i32
      %dma_wait3A_167 = arith.constant 0 : i32
      %dma_wait3A_168 = tpu.memref_slice %arg14[%dma_wait3A_159, %dma_wait3A_166, %dma_wait3A_167] : memref<2x256x64xf32, #tpu.memory_space<vmem>> -> memref<1x256x64xf32, #tpu.memory_space<vmem>>
      %dma_wait3A_169 = tpu.memref_squeeze %dma_wait3A_168 : memref<1x256x64xf32, #tpu.memory_space<vmem>> -> memref<256x64xf32, #tpu.memory_space<vmem>>
      %dma_wait3A_170 = arith.constant 0 : i32
      %dma_wait3A_171 = tpu.memref_slice %arg2[%add3A_158, %dma_wait3A_170] : memref<1000000x64xf32, #tpu.memory_space<hbm>> -> memref<256x64xf32, #tpu.memory_space<hbm>>
      tpu.wait_dma2 semaphore(%arg18 : memref<!tpu.dma_semaphore, #tpu.memory_space<semaphore_mem>>) src(%dma_wait3A_171 : memref<256x64xf32, #tpu.memory_space<hbm>>) dst(%dma_wait3A_169 : memref<256x64xf32, #tpu.memory_space<vmem>>)
      %mul3A_172 = arith.constant 256 : i32
      %mul3A_173 = arith.muli %scan3A_134, %mul3A_172 : i32
      %add3A_174 = arith.addi %mul3A_68, %mul3A_173 : i32
      %dma_start3A_175 = arith.constant 0 : i32
      %dma_start3A_176 = arith.constant 0 : i32
      %dma_start3A_177 = tpu.memref_slice %arg14[%select_n3A_145, %dma_start3A_175, %dma_start3A_176] : memref<2x256x64xf32, #tpu.memory_space<vmem>> -> memref<1x256x64xf32, #tpu.memory_space<vmem>>
      %dma_start3A_178 = tpu.memref_squeeze %dma_start3A_177 : memref<1x256x64xf32, #tpu.memory_space<vmem>> -> memref<256x64xf32, #tpu.memory_space<vmem>>
      %dma_start3A_179 = arith.constant 0 : i32
      %dma_start3A_180 = tpu.memref_slice %arg5[%add3A_174, %dma_start3A_179] : memref<1000000x64xf32, #tpu.memory_space<hbm>> -> memref<256x64xf32, #tpu.memory_space<hbm>>
      %dma_start3A_181 = arith.constant 0 : i32
      %dma_start3A_182 = tpu.memref_slice %arg5[%add3A_174, %dma_start3A_181] : memref<1000000x64xf32, #tpu.memory_space<hbm>> -> memref<256x64xf32, #tpu.memory_space<hbm>>
      %dma_start3A_183 = arith.constant 0 : i32
      %dma_start3A_184 = arith.constant 0 : i32
      %dma_start3A_185 = tpu.memref_slice %arg14[%select_n3A_145, %dma_start3A_183, %dma_start3A_184] : memref<2x256x64xf32, #tpu.memory_space<vmem>> -> memref<1x256x64xf32, #tpu.memory_space<vmem>>
      %dma_start3A_186 = tpu.memref_squeeze %dma_start3A_185 : memref<1x256x64xf32, #tpu.memory_space<vmem>> -> memref<256x64xf32, #tpu.memory_space<vmem>>
      tpu.enqueue_dma source(%dma_start3A_186 : memref<256x64xf32, #tpu.memory_space<vmem>>) target(%dma_start3A_182 : memref<256x64xf32, #tpu.memory_space<hbm>>) target_semaphore(%arg19 : memref<!tpu.dma_semaphore, #tpu.memory_space<semaphore_mem>>)
    }
    %scan3A_88 = arith.constant 244 : i32
    %add3A_89 = arith.constant 0 : i32
    %add3A_90 = arith.addi %mul3A_68, %add3A_89 : i32
    %dma_wait3A = arith.constant 0 : i32
    %dma_wait3A_91 = arith.constant 0 : i32
    %dma_wait3A_92 = arith.constant 0 : i32
    %dma_wait3A_93 = tpu.memref_slice %arg14[%dma_wait3A, %dma_wait3A_91, %dma_wait3A_92] : memref<2x256x64xf32, #tpu.memory_space<vmem>> -> memref<1x256x64xf32, #tpu.memory_space<vmem>>
    %dma_wait3A_94 = tpu.memref_squeeze %dma_wait3A_93 : memref<1x256x64xf32, #tpu.memory_space<vmem>> -> memref<256x64xf32, #tpu.memory_space<vmem>>
    %dma_wait3A_95 = arith.constant 0 : i32
    %dma_wait3A_96 = tpu.memref_slice %arg5[%add3A_90, %dma_wait3A_95] : memref<1000000x64xf32, #tpu.memory_space<hbm>> -> memref<256x64xf32, #tpu.memory_space<hbm>>
    %dma_wait3A_97 = arith.constant 0 : i32
    %dma_wait3A_98 = tpu.memref_slice %arg5[%add3A_90, %dma_wait3A_97] : memref<1000000x64xf32, #tpu.memory_space<hbm>> -> memref<256x64xf32, #tpu.memory_space<hbm>>
    %dma_wait3A_99 = arith.constant 0 : i32
    %dma_wait3A_100 = arith.constant 0 : i32
    %dma_wait3A_101 = tpu.memref_slice %arg14[%dma_wait3A, %dma_wait3A_99, %dma_wait3A_100] : memref<2x256x64xf32, #tpu.memory_space<vmem>> -> memref<1x256x64xf32, #tpu.memory_space<vmem>>
    %dma_wait3A_102 = tpu.memref_squeeze %dma_wait3A_101 : memref<1x256x64xf32, #tpu.memory_space<vmem>> -> memref<256x64xf32, #tpu.memory_space<vmem>>
    tpu.wait_dma2 semaphore(%arg19 : memref<!tpu.dma_semaphore, #tpu.memory_space<semaphore_mem>>) src(%dma_wait3A_102 : memref<256x64xf32, #tpu.memory_space<vmem>>) dst(%dma_wait3A_98 : memref<256x64xf32, #tpu.memory_space<hbm>>)
    %add3A_103 = arith.constant 62464 : i32
    %add3A_104 = arith.addi %mul3A_68, %add3A_103 : i32
    %add3A_105 = arith.constant 62464 : i32
    %add3A_106 = arith.addi %mul3A_68, %add3A_105 : i32
    %add3A_107 = arith.constant 62464 : i32
    %add3A_108 = arith.addi %mul3A_68, %add3A_107 : i32
    %add3A_109 = arith.constant 62464 : i32
    %add3A_110 = arith.addi %mul3A_68, %add3A_109 : i32
    %lt3A_111 = arith.constant 15 : i32
    %lt3A_112 = arith.cmpi slt, %arg1, %lt3A_111 : i32
    %convert_element_type3A_113 = arith.extui %lt3A_112 : i1 to i32
    %cond3A_114 = arith.constant 0 : i32
    %cond3A_115 = arith.constant 0 : i32
    %cond3A_116 = arith.constant 0 : i32
    %cond3A_117 = arith.cmpi ne, %convert_element_type3A_113, %cond3A_116 : i32
    scf.if %cond3A_117 {
      %dma_start3A_134 = arith.constant 0 : i32
      %dma_start3A_135 = arith.constant 0 : i32
      %dma_start3A_136 = tpu.memref_slice %arg14[%cond3A_114, %dma_start3A_134, %dma_start3A_135] : memref<2x256x64xf32, #tpu.memory_space<vmem>> -> memref<1x256x64xf32, #tpu.memory_space<vmem>>
      %dma_start3A_137 = tpu.memref_squeeze %dma_start3A_136 : memref<1x256x64xf32, #tpu.memory_space<vmem>> -> memref<256x64xf32, #tpu.memory_space<vmem>>
      %dma_start3A_138 = arith.constant 0 : i32
      %dma_start3A_139 = arith.constant 0 : i32
      %dma_start3A_140 = tpu.memref_slice %dma_start3A_137[%dma_start3A_138, %dma_start3A_139] : memref<256x64xf32, #tpu.memory_space<vmem>> -> memref<32x64xf32, #tpu.memory_space<vmem>>
      %dma_start3A_141 = arith.constant 0 : i32
      %dma_start3A_142 = tpu.memref_slice %arg2[%add3A_104, %dma_start3A_141] : memref<1000000x64xf32, #tpu.memory_space<hbm>> -> memref<32x64xf32, #tpu.memory_space<hbm>>
      %dma_start3A_143 = arith.constant 0 : i32
      %dma_start3A_144 = arith.constant 0 : i32
      %dma_start3A_145 = tpu.memref_slice %arg14[%cond3A_114, %dma_start3A_143, %dma_start3A_144] : memref<2x256x64xf32, #tpu.memory_space<vmem>> -> memref<1x256x64xf32, #tpu.memory_space<vmem>>
      %dma_start3A_146 = tpu.memref_squeeze %dma_start3A_145 : memref<1x256x64xf32, #tpu.memory_space<vmem>> -> memref<256x64xf32, #tpu.memory_space<vmem>>
      %dma_start3A_147 = arith.constant 0 : i32
      %dma_start3A_148 = arith.constant 0 : i32
      %dma_start3A_149 = tpu.memref_slice %dma_start3A_146[%dma_start3A_147, %dma_start3A_148] : memref<256x64xf32, #tpu.memory_space<vmem>> -> memref<32x64xf32, #tpu.memory_space<vmem>>
      %dma_start3A_150 = arith.constant 0 : i32
      %dma_start3A_151 = tpu.memref_slice %arg2[%add3A_104, %dma_start3A_150] : memref<1000000x64xf32, #tpu.memory_space<hbm>> -> memref<32x64xf32, #tpu.memory_space<hbm>>
      tpu.enqueue_dma source(%dma_start3A_151 : memref<32x64xf32, #tpu.memory_space<hbm>>) target(%dma_start3A_149 : memref<32x64xf32, #tpu.memory_space<vmem>>) target_semaphore(%arg18 : memref<!tpu.dma_semaphore, #tpu.memory_space<semaphore_mem>>)
      %dma_wait3A_152 = arith.constant 0 : i32
      %dma_wait3A_153 = arith.constant 0 : i32
      %dma_wait3A_154 = tpu.memref_slice %arg14[%cond3A_114, %dma_wait3A_152, %dma_wait3A_153] : memref<2x256x64xf32, #tpu.memory_space<vmem>> -> memref<1x256x64xf32, #tpu.memory_space<vmem>>
      %dma_wait3A_155 = tpu.memref_squeeze %dma_wait3A_154 : memref<1x256x64xf32, #tpu.memory_space<vmem>> -> memref<256x64xf32, #tpu.memory_space<vmem>>
      %dma_wait3A_156 = arith.constant 0 : i32
      %dma_wait3A_157 = arith.constant 0 : i32
      %dma_wait3A_158 = tpu.memref_slice %dma_wait3A_155[%dma_wait3A_156, %dma_wait3A_157] : memref<256x64xf32, #tpu.memory_space<vmem>> -> memref<32x64xf32, #tpu.memory_space<vmem>>
      %dma_wait3A_159 = arith.constant 0 : i32
      %dma_wait3A_160 = tpu.memref_slice %arg2[%add3A_104, %dma_wait3A_159] : memref<1000000x64xf32, #tpu.memory_space<hbm>> -> memref<32x64xf32, #tpu.memory_space<hbm>>
      %dma_wait3A_161 = arith.constant 0 : i32
      %dma_wait3A_162 = arith.constant 0 : i32
      %dma_wait3A_163 = tpu.memref_slice %arg14[%cond3A_114, %dma_wait3A_161, %dma_wait3A_162] : memref<2x256x64xf32, #tpu.memory_space<vmem>> -> memref<1x256x64xf32, #tpu.memory_space<vmem>>
      %dma_wait3A_164 = tpu.memref_squeeze %dma_wait3A_163 : memref<1x256x64xf32, #tpu.memory_space<vmem>> -> memref<256x64xf32, #tpu.memory_space<vmem>>
      %dma_wait3A_165 = arith.constant 0 : i32
      %dma_wait3A_166 = arith.constant 0 : i32
      %dma_wait3A_167 = tpu.memref_slice %dma_wait3A_164[%dma_wait3A_165, %dma_wait3A_166] : memref<256x64xf32, #tpu.memory_space<vmem>> -> memref<32x64xf32, #tpu.memory_space<vmem>>
      %dma_wait3A_168 = arith.constant 0 : i32
      %dma_wait3A_169 = tpu.memref_slice %arg2[%add3A_104, %dma_wait3A_168] : memref<1000000x64xf32, #tpu.memory_space<hbm>> -> memref<32x64xf32, #tpu.memory_space<hbm>>
      tpu.wait_dma2 semaphore(%arg18 : memref<!tpu.dma_semaphore, #tpu.memory_space<semaphore_mem>>) src(%dma_wait3A_169 : memref<32x64xf32, #tpu.memory_space<hbm>>) dst(%dma_wait3A_167 : memref<32x64xf32, #tpu.memory_space<vmem>>)
      %dma_start3A_170 = arith.constant 0 : i32
      %dma_start3A_171 = arith.constant 0 : i32
      %dma_start3A_172 = tpu.memref_slice %arg14[%cond3A_115, %dma_start3A_170, %dma_start3A_171] : memref<2x256x64xf32, #tpu.memory_space<vmem>> -> memref<1x256x64xf32, #tpu.memory_space<vmem>>
      %dma_start3A_173 = tpu.memref_squeeze %dma_start3A_172 : memref<1x256x64xf32, #tpu.memory_space<vmem>> -> memref<256x64xf32, #tpu.memory_space<vmem>>
      %dma_start3A_174 = arith.constant 0 : i32
      %dma_start3A_175 = arith.constant 0 : i32
      %dma_start3A_176 = tpu.memref_slice %dma_start3A_173[%dma_start3A_174, %dma_start3A_175] : memref<256x64xf32, #tpu.memory_space<vmem>> -> memref<32x64xf32, #tpu.memory_space<vmem>>
      %dma_start3A_177 = arith.constant 0 : i32
      %dma_start3A_178 = tpu.memref_slice %arg5[%add3A_106, %dma_start3A_177] : memref<1000000x64xf32, #tpu.memory_space<hbm>> -> memref<32x64xf32, #tpu.memory_space<hbm>>
      %dma_start3A_179 = arith.constant 0 : i32
      %dma_start3A_180 = tpu.memref_slice %arg5[%add3A_106, %dma_start3A_179] : memref<1000000x64xf32, #tpu.memory_space<hbm>> -> memref<32x64xf32, #tpu.memory_space<hbm>>
      %dma_start3A_181 = arith.constant 0 : i32
      %dma_start3A_182 = arith.constant 0 : i32
      %dma_start3A_183 = tpu.memref_slice %arg14[%cond3A_115, %dma_start3A_181, %dma_start3A_182] : memref<2x256x64xf32, #tpu.memory_space<vmem>> -> memref<1x256x64xf32, #tpu.memory_space<vmem>>
      %dma_start3A_184 = tpu.memref_squeeze %dma_start3A_183 : memref<1x256x64xf32, #tpu.memory_space<vmem>> -> memref<256x64xf32, #tpu.memory_space<vmem>>
      %dma_start3A_185 = arith.constant 0 : i32
      %dma_start3A_186 = arith.constant 0 : i32
      %dma_start3A_187 = tpu.memref_slice %dma_start3A_184[%dma_start3A_185, %dma_start3A_186] : memref<256x64xf32, #tpu.memory_space<vmem>> -> memref<32x64xf32, #tpu.memory_space<vmem>>
      tpu.enqueue_dma source(%dma_start3A_187 : memref<32x64xf32, #tpu.memory_space<vmem>>) target(%dma_start3A_180 : memref<32x64xf32, #tpu.memory_space<hbm>>) target_semaphore(%arg19 : memref<!tpu.dma_semaphore, #tpu.memory_space<semaphore_mem>>)
      %dma_wait3A_188 = arith.constant 0 : i32
      %dma_wait3A_189 = arith.constant 0 : i32
      %dma_wait3A_190 = tpu.memref_slice %arg14[%cond3A_115, %dma_wait3A_188, %dma_wait3A_189] : memref<2x256x64xf32, #tpu.memory_space<vmem>> -> memref<1x256x64xf32, #tpu.memory_space<vmem>>
      %dma_wait3A_191 = tpu.memref_squeeze %dma_wait3A_190 : memref<1x256x64xf32, #tpu.memory_space<vmem>> -> memref<256x64xf32, #tpu.memory_space<vmem>>
      %dma_wait3A_192 = arith.constant 0 : i32
      %dma_wait3A_193 = arith.constant 0 : i32
      %dma_wait3A_194 = tpu.memref_slice %dma_wait3A_191[%dma_wait3A_192, %dma_wait3A_193] : memref<256x64xf32, #tpu.memory_space<vmem>> -> memref<32x64xf32, #tpu.memory_space<vmem>>
      %dma_wait3A_195 = arith.constant 0 : i32
      %dma_wait3A_196 = tpu.memref_slice %arg5[%add3A_106, %dma_wait3A_195] : memref<1000000x64xf32, #tpu.memory_space<hbm>> -> memref<32x64xf32, #tpu.memory_space<hbm>>
      %dma_wait3A_197 = arith.constant 0 : i32
      %dma_wait3A_198 = tpu.memref_slice %arg5[%add3A_106, %dma_wait3A_197] : memref<1000000x64xf32, #tpu.memory_space<hbm>> -> memref<32x64xf32, #tpu.memory_space<hbm>>
      %dma_wait3A_199 = arith.constant 0 : i32
      %dma_wait3A_200 = arith.constant 0 : i32
      %dma_wait3A_201 = tpu.memref_slice %arg14[%cond3A_115, %dma_wait3A_199, %dma_wait3A_200] : memref<2x256x64xf32, #tpu.memory_space<vmem>> -> memref<1x256x64xf32, #tpu.memory_space<vmem>>
      %dma_wait3A_202 = tpu.memref_squeeze %dma_wait3A_201 : memref<1x256x64xf32, #tpu.memory_space<vmem>> -> memref<256x64xf32, #tpu.memory_space<vmem>>
      %dma_wait3A_203 = arith.constant 0 : i32
      %dma_wait3A_204 = arith.constant 0 : i32
      %dma_wait3A_205 = tpu.memref_slice %dma_wait3A_202[%dma_wait3A_203, %dma_wait3A_204] : memref<256x64xf32, #tpu.memory_space<vmem>> -> memref<32x64xf32, #tpu.memory_space<vmem>>
      tpu.wait_dma2 semaphore(%arg19 : memref<!tpu.dma_semaphore, #tpu.memory_space<semaphore_mem>>) src(%dma_wait3A_205 : memref<32x64xf32, #tpu.memory_space<vmem>>) dst(%dma_wait3A_198 : memref<32x64xf32, #tpu.memory_space<hbm>>)
    } else {
    }
    %eq3A_118 = arith.constant 15 : i32
    %eq3A_119 = arith.cmpi eq, %arg1, %eq3A_118 : i32
    %convert_element_type3A_120 = arith.extui %eq3A_119 : i1 to i32
    %cond3A_121 = arith.constant 0 : i32
    %cond3A_122 = arith.constant 0 : i32
    %cond3A_123 = arith.constant 0 : i32
    %cond3A_124 = arith.cmpi ne, %convert_element_type3A_120, %cond3A_123 : i32
    scf.if %cond3A_124 {
      %dma_start3A_134 = arith.constant 0 : i32
      %dma_start3A_135 = arith.constant 0 : i32
      %dma_start3A_136 = tpu.memref_slice %arg14[%cond3A_121, %dma_start3A_134, %dma_start3A_135] : memref<2x256x64xf32, #tpu.memory_space<vmem>> -> memref<1x256x64xf32, #tpu.memory_space<vmem>>
      %dma_start3A_137 = tpu.memref_squeeze %dma_start3A_136 : memref<1x256x64xf32, #tpu.memory_space<vmem>> -> memref<256x64xf32, #tpu.memory_space<vmem>>
      %dma_start3A_138 = arith.constant 0 : i32
      %dma_start3A_139 = arith.constant 0 : i32
      %dma_start3A_140 = tpu.memref_slice %dma_start3A_137[%dma_start3A_138, %dma_start3A_139] : memref<256x64xf32, #tpu.memory_space<vmem>> -> memref<96x64xf32, #tpu.memory_space<vmem>>
      %dma_start3A_141 = arith.constant 0 : i32
      %dma_start3A_142 = tpu.memref_slice %arg2[%add3A_108, %dma_start3A_141] : memref<1000000x64xf32, #tpu.memory_space<hbm>> -> memref<96x64xf32, #tpu.memory_space<hbm>>
      %dma_start3A_143 = arith.constant 0 : i32
      %dma_start3A_144 = arith.constant 0 : i32
      %dma_start3A_145 = tpu.memref_slice %arg14[%cond3A_121, %dma_start3A_143, %dma_start3A_144] : memref<2x256x64xf32, #tpu.memory_space<vmem>> -> memref<1x256x64xf32, #tpu.memory_space<vmem>>
      %dma_start3A_146 = tpu.memref_squeeze %dma_start3A_145 : memref<1x256x64xf32, #tpu.memory_space<vmem>> -> memref<256x64xf32, #tpu.memory_space<vmem>>
      %dma_start3A_147 = arith.constant 0 : i32
      %dma_start3A_148 = arith.constant 0 : i32
      %dma_start3A_149 = tpu.memref_slice %dma_start3A_146[%dma_start3A_147, %dma_start3A_148] : memref<256x64xf32, #tpu.memory_space<vmem>> -> memref<96x64xf32, #tpu.memory_space<vmem>>
      %dma_start3A_150 = arith.constant 0 : i32
      %dma_start3A_151 = tpu.memref_slice %arg2[%add3A_108, %dma_start3A_150] : memref<1000000x64xf32, #tpu.memory_space<hbm>> -> memref<96x64xf32, #tpu.memory_space<hbm>>
      tpu.enqueue_dma source(%dma_start3A_151 : memref<96x64xf32, #tpu.memory_space<hbm>>) target(%dma_start3A_149 : memref<96x64xf32, #tpu.memory_space<vmem>>) target_semaphore(%arg18 : memref<!tpu.dma_semaphore, #tpu.memory_space<semaphore_mem>>)
      %dma_wait3A_152 = arith.constant 0 : i32
      %dma_wait3A_153 = arith.constant 0 : i32
      %dma_wait3A_154 = tpu.memref_slice %arg14[%cond3A_121, %dma_wait3A_152, %dma_wait3A_153] : memref<2x256x64xf32, #tpu.memory_space<vmem>> -> memref<1x256x64xf32, #tpu.memory_space<vmem>>
      %dma_wait3A_155 = tpu.memref_squeeze %dma_wait3A_154 : memref<1x256x64xf32, #tpu.memory_space<vmem>> -> memref<256x64xf32, #tpu.memory_space<vmem>>
      %dma_wait3A_156 = arith.constant 0 : i32
      %dma_wait3A_157 = arith.constant 0 : i32
      %dma_wait3A_158 = tpu.memref_slice %dma_wait3A_155[%dma_wait3A_156, %dma_wait3A_157] : memref<256x64xf32, #tpu.memory_space<vmem>> -> memref<96x64xf32, #tpu.memory_space<vmem>>
      %dma_wait3A_159 = arith.constant 0 : i32
      %dma_wait3A_160 = tpu.memref_slice %arg2[%add3A_108, %dma_wait3A_159] : memref<1000000x64xf32, #tpu.memory_space<hbm>> -> memref<96x64xf32, #tpu.memory_space<hbm>>
      %dma_wait3A_161 = arith.constant 0 : i32
      %dma_wait3A_162 = arith.constant 0 : i32
      %dma_wait3A_163 = tpu.memref_slice %arg14[%cond3A_121, %dma_wait3A_161, %dma_wait3A_162] : memref<2x256x64xf32, #tpu.memory_space<vmem>> -> memref<1x256x64xf32, #tpu.memory_space<vmem>>
      %dma_wait3A_164 = tpu.memref_squeeze %dma_wait3A_163 : memref<1x256x64xf32, #tpu.memory_space<vmem>> -> memref<256x64xf32, #tpu.memory_space<vmem>>
      %dma_wait3A_165 = arith.constant 0 : i32
      %dma_wait3A_166 = arith.constant 0 : i32
      %dma_wait3A_167 = tpu.memref_slice %dma_wait3A_164[%dma_wait3A_165, %dma_wait3A_166] : memref<256x64xf32, #tpu.memory_space<vmem>> -> memref<96x64xf32, #tpu.memory_space<vmem>>
      %dma_wait3A_168 = arith.constant 0 : i32
      %dma_wait3A_169 = tpu.memref_slice %arg2[%add3A_108, %dma_wait3A_168] : memref<1000000x64xf32, #tpu.memory_space<hbm>> -> memref<96x64xf32, #tpu.memory_space<hbm>>
      tpu.wait_dma2 semaphore(%arg18 : memref<!tpu.dma_semaphore, #tpu.memory_space<semaphore_mem>>) src(%dma_wait3A_169 : memref<96x64xf32, #tpu.memory_space<hbm>>) dst(%dma_wait3A_167 : memref<96x64xf32, #tpu.memory_space<vmem>>)
      %dma_start3A_170 = arith.constant 0 : i32
      %dma_start3A_171 = arith.constant 0 : i32
      %dma_start3A_172 = tpu.memref_slice %arg14[%cond3A_122, %dma_start3A_170, %dma_start3A_171] : memref<2x256x64xf32, #tpu.memory_space<vmem>> -> memref<1x256x64xf32, #tpu.memory_space<vmem>>
      %dma_start3A_173 = tpu.memref_squeeze %dma_start3A_172 : memref<1x256x64xf32, #tpu.memory_space<vmem>> -> memref<256x64xf32, #tpu.memory_space<vmem>>
      %dma_start3A_174 = arith.constant 0 : i32
      %dma_start3A_175 = arith.constant 0 : i32
      %dma_start3A_176 = tpu.memref_slice %dma_start3A_173[%dma_start3A_174, %dma_start3A_175] : memref<256x64xf32, #tpu.memory_space<vmem>> -> memref<96x64xf32, #tpu.memory_space<vmem>>
      %dma_start3A_177 = arith.constant 0 : i32
      %dma_start3A_178 = tpu.memref_slice %arg5[%add3A_110, %dma_start3A_177] : memref<1000000x64xf32, #tpu.memory_space<hbm>> -> memref<96x64xf32, #tpu.memory_space<hbm>>
      %dma_start3A_179 = arith.constant 0 : i32
      %dma_start3A_180 = tpu.memref_slice %arg5[%add3A_110, %dma_start3A_179] : memref<1000000x64xf32, #tpu.memory_space<hbm>> -> memref<96x64xf32, #tpu.memory_space<hbm>>
      %dma_start3A_181 = arith.constant 0 : i32
      %dma_start3A_182 = arith.constant 0 : i32
      %dma_start3A_183 = tpu.memref_slice %arg14[%cond3A_122, %dma_start3A_181, %dma_start3A_182] : memref<2x256x64xf32, #tpu.memory_space<vmem>> -> memref<1x256x64xf32, #tpu.memory_space<vmem>>
      %dma_start3A_184 = tpu.memref_squeeze %dma_start3A_183 : memref<1x256x64xf32, #tpu.memory_space<vmem>> -> memref<256x64xf32, #tpu.memory_space<vmem>>
      %dma_start3A_185 = arith.constant 0 : i32
      %dma_start3A_186 = arith.constant 0 : i32
      %dma_start3A_187 = tpu.memref_slice %dma_start3A_184[%dma_start3A_185, %dma_start3A_186] : memref<256x64xf32, #tpu.memory_space<vmem>> -> memref<96x64xf32, #tpu.memory_space<vmem>>
      tpu.enqueue_dma source(%dma_start3A_187 : memref<96x64xf32, #tpu.memory_space<vmem>>) target(%dma_start3A_180 : memref<96x64xf32, #tpu.memory_space<hbm>>) target_semaphore(%arg19 : memref<!tpu.dma_semaphore, #tpu.memory_space<semaphore_mem>>)
      %dma_wait3A_188 = arith.constant 0 : i32
      %dma_wait3A_189 = arith.constant 0 : i32
      %dma_wait3A_190 = tpu.memref_slice %arg14[%cond3A_122, %dma_wait3A_188, %dma_wait3A_189] : memref<2x256x64xf32, #tpu.memory_space<vmem>> -> memref<1x256x64xf32, #tpu.memory_space<vmem>>
      %dma_wait3A_191 = tpu.memref_squeeze %dma_wait3A_190 : memref<1x256x64xf32, #tpu.memory_space<vmem>> -> memref<256x64xf32, #tpu.memory_space<vmem>>
      %dma_wait3A_192 = arith.constant 0 : i32
      %dma_wait3A_193 = arith.constant 0 : i32
      %dma_wait3A_194 = tpu.memref_slice %dma_wait3A_191[%dma_wait3A_192, %dma_wait3A_193] : memref<256x64xf32, #tpu.memory_space<vmem>> -> memref<96x64xf32, #tpu.memory_space<vmem>>
      %dma_wait3A_195 = arith.constant 0 : i32
      %dma_wait3A_196 = tpu.memref_slice %arg5[%add3A_110, %dma_wait3A_195] : memref<1000000x64xf32, #tpu.memory_space<hbm>> -> memref<96x64xf32, #tpu.memory_space<hbm>>
      %dma_wait3A_197 = arith.constant 0 : i32
      %dma_wait3A_198 = tpu.memref_slice %arg5[%add3A_110, %dma_wait3A_197] : memref<1000000x64xf32, #tpu.memory_space<hbm>> -> memref<96x64xf32, #tpu.memory_space<hbm>>
      %dma_wait3A_199 = arith.constant 0 : i32
      %dma_wait3A_200 = arith.constant 0 : i32
      %dma_wait3A_201 = tpu.memref_slice %arg14[%cond3A_122, %dma_wait3A_199, %dma_wait3A_200] : memref<2x256x64xf32, #tpu.memory_space<vmem>> -> memref<1x256x64xf32, #tpu.memory_space<vmem>>
      %dma_wait3A_202 = tpu.memref_squeeze %dma_wait3A_201 : memref<1x256x64xf32, #tpu.memory_space<vmem>> -> memref<256x64xf32, #tpu.memory_space<vmem>>
      %dma_wait3A_203 = arith.constant 0 : i32
      %dma_wait3A_204 = arith.constant 0 : i32
      %dma_wait3A_205 = tpu.memref_slice %dma_wait3A_202[%dma_wait3A_203, %dma_wait3A_204] : memref<256x64xf32, #tpu.memory_space<vmem>> -> memref<96x64xf32, #tpu.memory_space<vmem>>
      tpu.wait_dma2 semaphore(%arg19 : memref<!tpu.dma_semaphore, #tpu.memory_space<semaphore_mem>>) src(%dma_wait3A_205 : memref<96x64xf32, #tpu.memory_space<vmem>>) dst(%dma_wait3A_198 : memref<96x64xf32, #tpu.memory_space<hbm>>)
    } else {
    }
    %barrier3A_125 = arith.constant 0 : index
    tpu.barrier barrier_id(%barrier3A_125)
    %mul3A_126 = arith.constant 1024 : i32
    %mul3A_127 = arith.muli %arg1, %mul3A_126 : i32
    "tpu.region"() ({
      %run_scoped3A = tpu.sem_alloc : memref<!tpu.dma_semaphore, #tpu.memory_space<semaphore_mem>>
      %dma_start3A_134 = tpu.memref_slice %arg4[%mul3A_127] : memref<16384xi32, #tpu.memory_space<hbm>> -> memref<1024xi32, #tpu.memory_space<hbm>>
      %dma_start3A_135 = tpu.memref_slice %arg4[%mul3A_127] : memref<16384xi32, #tpu.memory_space<hbm>> -> memref<1024xi32, #tpu.memory_space<hbm>>
      tpu.enqueue_dma source(%dma_start3A_135 : memref<1024xi32, #tpu.memory_space<hbm>>) target(%arg6 : memref<1024xi32, #tpu.memory_space<vmem>>) target_semaphore(%run_scoped3A : memref<!tpu.dma_semaphore, #tpu.memory_space<semaphore_mem>>)
      %dma_wait3A_136 = tpu.memref_slice %arg4[%mul3A_127] : memref<16384xi32, #tpu.memory_space<hbm>> -> memref<1024xi32, #tpu.memory_space<hbm>>
      %dma_wait3A_137 = tpu.memref_slice %arg4[%mul3A_127] : memref<16384xi32, #tpu.memory_space<hbm>> -> memref<1024xi32, #tpu.memory_space<hbm>>
      tpu.wait_dma2 semaphore(%run_scoped3A : memref<!tpu.dma_semaphore, #tpu.memory_space<semaphore_mem>>) src(%dma_wait3A_137 : memref<1024xi32, #tpu.memory_space<hbm>>) dst(%arg6 : memref<1024xi32, #tpu.memory_space<vmem>>)
      tpu.yield
    }) : () -> ()
    %scan3A_128 = arith.constant 0 : i32
    %scan3A_129 = arith.constant 0 : i32
    %scan3A_130 = arith.constant 8 : i32
    %scan3A_131 = arith.addi %scan3A_129, %scan3A_130 : i32
    %scan3A_132 = arith.constant 1 : i32
    scf.for %scan3A_134 = %scan3A_129 to %scan3A_131 step %scan3A_132  : i32 {
      %mul3A_135 = arith.constant 128 : i32
      %mul3A_136 = arith.muli %scan3A_134, %mul3A_135 : i32
      %dma_start3A_137 = arith.constant 0 : i32
      %dma_start3A_138 = tpu.memref_slice %arg7[%dma_start3A_137] : memref<1024xi32, #tpu.memory_space<vmem>> -> memref<128xi32, #tpu.memory_space<vmem>>
      %dma_start3A_139 = tpu.memref_slice %arg6[%mul3A_136] : memref<1024xi32, #tpu.memory_space<vmem>> -> memref<128xi32, #tpu.memory_space<vmem>>
      %dma_start3A_140 = arith.constant 0 : i32
      %dma_start3A_141 = tpu.memref_slice %arg15[%dma_start3A_140] : memref<1002048xi32, #tpu.memory_space<vmem_shared>> -> memref<1002048xi32, #tpu.memory_space<vmem_shared>>
      tpu.enqueue_indirect_dma source(%dma_start3A_141 : memref<1002048xi32, #tpu.memory_space<vmem_shared>>) target(%dma_start3A_138 : memref<128xi32, #tpu.memory_space<vmem>>) offsets(%dma_start3A_139 : memref<128xi32, #tpu.memory_space<vmem>>) semaphore(%arg16 : memref<!tpu.dma_semaphore, #tpu.memory_space<semaphore_mem>>)
      %scan3A_142 = arith.constant 0 : i32
      %scan3A_143 = arith.constant 0 : i32
      %scan3A_144 = arith.constant 8 : i32
      %scan3A_145 = arith.addi %scan3A_143, %scan3A_144 : i32
      %scan3A_146 = arith.constant 1 : i32
      scf.for %scan3A_171 = %scan3A_143 to %scan3A_145 step %scan3A_146  : i32 {
        %mul3A_172 = arith.constant 128 : i32
        %mul3A_173 = arith.muli %scan3A_134, %mul3A_172 : i32
        %mul3A_174 = arith.constant 16 : i32
        %mul3A_175 = arith.muli %scan3A_171, %mul3A_174 : i32
        %add3A_176 = arith.addi %mul3A_173, %mul3A_175 : i32
        %get3A = arith.index_cast %add3A_176 : i32 to index
        %get3A_177 = tpu.vector_load %arg6[%get3A] {strides = array<i32>} : memref<1024xi32, #tpu.memory_space<vmem>>, vector<16xi32>,
        %get3A_178 = vector.shape_cast %get3A_177 : vector<16xi32> to vector<16xi32>
        %mul3A_179 = arith.constant 16 : i32
        %mul3A_180 = arith.muli %scan3A_171, %mul3A_179 : i32
        %swap3A = arith.index_cast %mul3A_180 : i32 to index
        %swap3A_181 = tpu.vector_load %arg11[%swap3A] {strides = array<i32>} : memref<128xi32, #tpu.memory_space<vmem>>, vector<16xi32>,
        %swap3A_182 = vector.shape_cast %swap3A_181 : vector<16xi32> to vector<16xi32>
        %swap3A_183 = vector.shape_cast %get3A_178 : vector<16xi32> to vector<16xi32>
        tpu.vector_store %arg11[%swap3A], %swap3A_183 {strides = array<i32>} : memref<128xi32, #tpu.memory_space<vmem>>, vector<16xi32>,
      }
      %scan3A_147 = arith.constant 8 : i32
      %dma_wait3A_148 = arith.constant 0 : i32
      %dma_wait3A_149 = tpu.memref_slice %arg7[%dma_wait3A_148] : memref<1024xi32, #tpu.memory_space<vmem>> -> memref<128xi32, #tpu.memory_space<vmem>>
      %dma_wait3A_150 = tpu.memref_slice %arg6[%mul3A_136] : memref<1024xi32, #tpu.memory_space<vmem>> -> memref<128xi32, #tpu.memory_space<vmem>>
      %dma_wait3A_151 = arith.constant 0 : i32
      %dma_wait3A_152 = tpu.memref_slice %arg15[%dma_wait3A_151] : memref<1002048xi32, #tpu.memory_space<vmem_shared>> -> memref<1002048xi32, #tpu.memory_space<vmem_shared>>
      tpu.wait_indirect_dma semaphore(%arg16 : memref<!tpu.dma_semaphore, #tpu.memory_space<semaphore_mem>>) src(%dma_wait3A_152 : memref<1002048xi32, #tpu.memory_space<vmem_shared>>) dst(%dma_wait3A_149 : memref<128xi32, #tpu.memory_space<vmem>>)
      %scan3A_153 = arith.constant 0 : i32
      %scan3A_154 = arith.constant 0 : i32
      %scan3A_155 = arith.constant 8 : i32
      %scan3A_156 = arith.addi %scan3A_154, %scan3A_155 : i32
      %scan3A_157 = arith.constant 1 : i32
      scf.for %scan3A_171 = %scan3A_154 to %scan3A_156 step %scan3A_157  : i32 {
        %mul3A_172 = arith.constant 16 : i32
        %mul3A_173 = arith.muli %scan3A_171, %mul3A_172 : i32
        %get3A = arith.index_cast %mul3A_173 : i32 to index
        %get3A_174 = tpu.vector_load %arg7[%get3A] {strides = array<i32>} : memref<1024xi32, #tpu.memory_space<vmem>>, vector<16xi32>,
        %get3A_175 = vector.shape_cast %get3A_174 : vector<16xi32> to vector<16xi32>
        %mul3A_176 = arith.constant 16 : i32
        %mul3A_177 = arith.muli %scan3A_171, %mul3A_176 : i32
        %swap3A = arith.index_cast %mul3A_177 : i32 to index
        %swap3A_178 = tpu.vector_load %arg12[%swap3A] {strides = array<i32>} : memref<128xi32, #tpu.memory_space<vmem>>, vector<16xi32>,
        %swap3A_179 = vector.shape_cast %swap3A_178 : vector<16xi32> to vector<16xi32>
        %swap3A_180 = vector.shape_cast %get3A_175 : vector<16xi32> to vector<16xi32>
        tpu.vector_store %arg12[%swap3A], %swap3A_180 {strides = array<i32>} : memref<128xi32, #tpu.memory_space<vmem>>, vector<16xi32>,
      }
      %scan3A_158 = arith.constant 8 : i32
      %dma_start3A_159 = arith.constant 0 : i32
      %dma_start3A_160 = arith.constant 0 : i32
      %dma_start3A_161 = tpu.memref_slice %arg3[%dma_start3A_159, %dma_start3A_160] : memref<16384x64xf32, #tpu.memory_space<hbm>> -> memref<16384x64xf32, #tpu.memory_space<hbm>>
      tpu.enqueue_indirect_dma source(%dma_start3A_161 : memref<16384x64xf32, #tpu.memory_space<hbm>>) target(%arg13 : memref<128x64xf32, #tpu.memory_space<vmem>>) offsets(%arg12 : memref<128xi32, #tpu.memory_space<vmem>>) semaphore(%arg16 : memref<!tpu.dma_semaphore, #tpu.memory_space<semaphore_mem>>)
      %dma_wait3A_162 = arith.constant 0 : i32
      %dma_wait3A_163 = arith.constant 0 : i32
      %dma_wait3A_164 = tpu.memref_slice %arg3[%dma_wait3A_162, %dma_wait3A_163] : memref<16384x64xf32, #tpu.memory_space<hbm>> -> memref<16384x64xf32, #tpu.memory_space<hbm>>
      tpu.wait_indirect_dma semaphore(%arg16 : memref<!tpu.dma_semaphore, #tpu.memory_space<semaphore_mem>>) src(%dma_wait3A_164 : memref<16384x64xf32, #tpu.memory_space<hbm>>) dst(%arg13 : memref<128x64xf32, #tpu.memory_space<vmem>>)
      %dma_start3A_165 = arith.constant 0 : i32
      %dma_start3A_166 = arith.constant 0 : i32
      %dma_start3A_167 = tpu.memref_slice %arg5[%dma_start3A_165, %dma_start3A_166] : memref<1000000x64xf32, #tpu.memory_space<hbm>> -> memref<1000000x64xf32, #tpu.memory_space<hbm>>
      tpu.enqueue_indirect_dma source(%arg13 : memref<128x64xf32, #tpu.memory_space<vmem>>) target(%dma_start3A_167 : memref<1000000x64xf32, #tpu.memory_space<hbm>>) offsets(%arg11 : memref<128xi32, #tpu.memory_space<vmem>>) semaphore(%arg17 : memref<!tpu.dma_semaphore, #tpu.memory_space<semaphore_mem>>)
      %dma_wait3A_168 = arith.constant 0 : i32
      %dma_wait3A_169 = arith.constant 0 : i32
      %dma_wait3A_170 = tpu.memref_slice %arg5[%dma_wait3A_168, %dma_wait3A_169] : memref<1000000x64xf32, #tpu.memory_space<hbm>> -> memref<1000000x64xf32, #tpu.memory_space<hbm>>
      tpu.wait_indirect_dma semaphore(%arg17 : memref<!tpu.dma_semaphore, #tpu.memory_space<semaphore_mem>>) src(%arg13 : memref<128x64xf32, #tpu.memory_space<vmem>>) dst(%dma_wait3A_170 : memref<1000000x64xf32, #tpu.memory_space<hbm>>)
    }
    %scan3A_133 = arith.constant 8 : i32
    return
  }
}

</mosaic_0001>

<sc_bundles>
// kernel: kernel.3.cloned.1.call-start
scs
__scs_entry_jumppad:
0x0: {  	(pc) =	sbr.rel $0x88, $3  }
0x1: {  	(tag) =	ssettag $0x0;
	lr =	simm.s32 $0x1  }
0x2: {  	[smem:$0x3F9E] =	sst lr;
	_ =	strace $0xD0000000  }
0x3: {  	_ = 	snop  }
0x4: {  	_ = 	snop  }
0x5: {  	_ = 	snop  }
0x6: {  	_ = 	snop  }
0x7: {  	_ = 	snop  }
__scs_overlays_trampoline_lowered:
0x8: {  	[smem:$0x3FAD] =	sst s0  }
0x9: {  	[smem:$0x3FAE] =	sst s1  }
0xa: {  	[smem:$0x3FAF] =	sst s2  }
0xb: {  	[smem:$0x3FB0] =	sst s3  }
0xc: {  	[smem:$0x3FB1] =	sst s4  }
0xd: {  	[smem:$0x3FB2] =	sst s5  }
0xe: {  	[smem:$0x3FB3] =	sst s6  }
0xf: {  	[smem:$0x3FB4] =	sst s7  }
0x10: {  	[smem:$0x3FB5] =	sst s8  }
0x11: {  	[smem:$0x3FB6] =	sst s9;
	s0 =	simm.s32 @!p0 $0x0  }
0x12: {  	s1 =	sld [smem:$0x3F9C];
	s0 =	simm.s32 @p0 $0x1  }
0x13: {  	[smem:$0x3FB7] =	sst s0;
	s0 =	simm.s32 @!p1 $0x0  }
0x14: {  	s2 =	sld [smem:$0x3F9B];
	s0 =	simm.s32 @p1 $0x1  }
0x15: {  	[smem:$0x3FB8] =	sst s0;
	s0 =	simm.s32 @!p2 $0x0  }
0x16: {  	s3 =	sld [smem:$0x3FDB];
	s0 =	simm.s32 @p2 $0x1  }
0x17: {  	s4 =	simm.s32 $0x1BF5;
	[smem:$0x3FBA] =	sst s0  }
0x18: {  	s0 =	sld [smem:$0x3F9D];
	_ =	swait.ge [sflag:s4], $0x0  }
0x19: {  	s7 =	sld [smem:$0x3F9E]  }
0x1a: {  	s8 =	sadd.s32 $0xFFFFE003, lr  }
0x1b: {  	s9 =	sadd.s32 $0xFFFFFEF7, lr;
	s5 =	simm.s32 $0xFFFFFFFF;
	p2 =	slt.u32 s8, $0xFFFFF086  }
0x1c: {  	p1 =	slt.u32 s9, $0xF7A;
	s5 =	simm.s32 @!p2 $0x0  }
0x1d: {  	s5 =	simm.s32 @p1 $0x1;
	p0 =	seq.s32 s7, s2  }
0x1e: {  	s7 =	smul.u32 @!p0 $0xF7A, s2;
	p2 =	seq.s32 @!p0 s5, $0x0  }
0x1f: {  	s9 =	smul.u32 $0xF7A, s1;
	s8 =	simm.s32 @!p0 $0x1BF5;
	p2 =	por !p2, p0  }
0x20: {  	[sflag:s8] =	ssyncset.s32 @!p0 $0xFFFFF086;
	s6 =	sadd.s32 @!p0 s3, s7;
	s7 =	simm.s32 @!p0 $0x108  }
0x21: {  	s3 =	sadd.s32 s3, s9;
	s6 =	sadd.s32 @!p0 $0x88, s6;
	s7 =	simm.s32 @p2 $0x1082  }
0x22: {  	[simem:s7], [sflag:s8] =	dma.local @!p0 [hbm:s6], $0xF7A  }
0x23: {  	s9 =	sor.u32 $0xD0000000, s2;
	s6 =	simm.s32 $0x108;
	_ =	swait.ge @!p0 [sflag:s8], $0x0  }
0x24: {  	s3 =	sadd.s32 $0x88, s3;
	s6 =	simm.s32 @!p1 $0x1082;
	[sflag:s4] =	ssyncset.s32 $0xFFFFF086  }
0x25: {  	[simem:s6], [sflag:s4] =	dma.local [hbm:s3], $0xF7A  }
0x26: {  	[smem:$0x3F9E] =	sst s1;
	(tag) =	ssettag s2;
	_ =	strace s9  }
0x27: {  	s1 =	sld [smem:$0x3FAE]  }
0x28: {  	s2 =	sld [smem:$0x3FAF]  }
0x29: {  	s4 =	sld [smem:$0x3FB1]  }
0x2a: {  	p0 =	seq.s32 s5, $0x0;
	s5 =	sld [smem:$0x3FB2]  }
0x2b: {  	s6 =	sld [smem:$0x3FB3]  }
0x2c: {  	s7 =	sld [smem:$0x3FB4]  }
0x2d: {  	s3 =	simm.s32 $0x108;
	s8 =	sld [smem:$0x3FB5]  }
0x2e: {  	s3 =	simm.s32 @!p0 $0x1082;
	s9 =	sld [smem:$0x3FB6]  }
0x2f: {  	lr =	sadd.s32 s0, s3;
	s0 =	sld [smem:$0x3FAD]  }
0x30: {  	s3 =	sld [smem:$0x3FB0]  }
0x31: {  	[smem:$0x3FB9] =	sst s10  }
0x32: {  	s10 =	sld [smem:$0x3FB7];
	_ =	sdelay $0x3  }
0x33: {  	p0 =	seq.s32 s10, $0x1;
	s10 =	sld [smem:$0x3FB9];
	_ =	sdelay $0x3  }
0x34: {  	[smem:$0x3FB9] =	sst s10  }
0x35: {  	s10 =	sld [smem:$0x3FB8];
	_ =	sdelay $0x3  }
0x36: {  	p1 =	seq.s32 s10, $0x1;
	s10 =	sld [smem:$0x3FB9];
	_ =	sdelay $0x3  }
0x37: {  	[smem:$0x3FB9] =	sst s10  }
0x38: {  	s10 =	sld [smem:$0x3FBA]  }
0x39: {  	_ = 	snop;
	(pc) =	sbr.ind lr, $3  }
0x3a: {  	_ = 	snop  }
0x3b: {  	_ = 	snop  }
0x3c: {  	p2 =	seq.s32 s10, $0x1;
	s10 =	sld [smem:$0x3FB9]  }
0x3d: {  	_ =	shalt  }
0x3e: {  	_ =	shalt  }
0x3f: {  	_ =	shalt  }
0x40: {  	_ =	shalt  }
0x41: {  	_ =	shalt  }
0x42: {  	_ =	shalt  }
0x43: {  	_ =	shalt  }
0x44: {  	_ =	shalt  }
0x45: {  	_ =	shalt  }
0x46: {  	_ =	shalt  }
0x47: {  	_ =	shalt  }
0x48: {  	_ =	shalt  }
0x49: {  	_ =	shalt  }
0x4a: {  	_ =	shalt  }
0x4b: {  	_ =	shalt  }
0x4c: {  	_ =	shalt  }
0x4d: {  	_ =	shalt  }
0x4e: {  	_ =	shalt  }
0x4f: {  	_ =	shalt  }
0x50: {  	_ =	shalt  }
0x51: {  	_ =	shalt  }
0x52: {  	_ =	shalt  }
0x53: {  	_ =	shalt  }
0x54: {  	_ =	shalt  }
0x55: {  	_ =	shalt  }
0x56: {  	_ =	shalt  }
0x57: {  	_ =	shalt  }
0x58: {  	_ =	shalt  }
0x59: {  	_ =	shalt  }
0x5a: {  	_ =	shalt  }
0x5b: {  	_ =	shalt  }
0x5c: {  	_ =	shalt  }
0x5d: {  	_ =	shalt  }
0x5e: {  	_ =	shalt  }
0x5f: {  	_ =	shalt  }
0x60: {  	_ =	shalt  }
0x61: {  	_ =	shalt  }
0x62: {  	_ =	shalt  }
0x63: {  	_ =	shalt  }
0x64: {  	_ =	shalt  }
0x65: {  	_ =	shalt  }
0x66: {  	_ =	shalt  }
0x67: {  	_ =	shalt  }
0x68: {  	_ =	shalt  }
0x69: {  	_ =	shalt  }
0x6a: {  	_ =	shalt  }
0x6b: {  	_ =	shalt  }
0x6c: {  	_ =	shalt  }
0x6d: {  	_ =	shalt  }
0x6e: {  	_ =	shalt  }
0x6f: {  	_ =	shalt  }
0x70: {  	_ =	shalt  }
0x71: {  	_ =	shalt  }
0x72: {  	_ =	shalt  }
0x73: {  	_ =	shalt  }
0x74: {  	_ =	shalt  }
0x75: {  	_ =	shalt  }
0x76: {  	_ =	shalt  }
0x77: {  	_ =	shalt  }
0x78: {  	_ =	shalt  }
0x79: {  	_ =	shalt  }
0x7a: {  	_ =	shalt  }
0x7b: {  	_ =	shalt  }
0x7c: {  	_ =	shalt  }
0x7d: {  	_ =	shalt  }
0x7e: {  	_ =	shalt  }
0x7f: {  	_ =	shalt  }
0x80: {  	_ =	shalt  }
0x81: {  	_ =	shalt  }
0x82: {  	_ =	shalt  }
0x83: {  	_ =	shalt  }
0x84: {  	_ =	shalt  }
0x85: {  	_ =	shalt  }
0x86: {  	_ =	shalt  }
0x87: {  	_ =	shalt  }
.Lfunc_end0:
.L_simem_size_0:
called_computation.1_lowered:
.L_overlay_start_0:
0x88: {  	s0 =	sld [smem:$0x3FD9]  }
0x89: {  	s1 =	sld [smem:$0x3FFE];
	_ =	sdelay $0x3  }
0x8a: {  	s0 =	sadd.s32 s1, s0  }
0x8b: {  	[smem:$0x3FC5] =	sst s0  }
0x8c: {  	_ = 	snop  }
0x8d: {  	s0 =	sld [smem:$0x3FC8]  }
0x8e: {  	s16 =	sld [smem:$0x3FD0];
	(tm) =	ssettm $0x1  }
0x8f: {  	s2 =	sld [smem:$0x3FFB];
	_ =	sdelay $0x3  }
0x90: {  	_ =	strace s2  }
0x91: {  	s2 =	sld [smem:$0x3FFC];
	_ =	sdelay $0x3  }
0x92: {  	_ =	strace s2  }
0x93: {  	s2 =	sld [smem:$0x3FFD];
	_ =	sdelay $0x3  }
0x94: {  	_ =	strace s2  }
0x95: {  	_ =	strace $0x8FFFFFFF  }
0x96: {  	s17 =	sld [smem:$0x3FDB];
	_ =	sdelay $0x1  }
0x97: {  	s3 =	simm.s32 $_scs_section_size  }
0x98: {  	s4 =	simm.s32 $_size__tile_overlayer_lowered;
	s5 =	simm.s32 $_tile_overlayer_lowered  }
0x99: {  	s20 =	simm.s32 $0x1BFF;
	s19 =	sshll.u32 s5, $0x1;
	s2 =	sadd.s32 s3, s17  }
0x9a: {  	s6 =	simm.s32 $0x0;
	s18 =	sshll.u32 s4, $0x1;
	s4 =	sadd.s32 s19, s2  }
0x9b: {  	[timem:s6], [sflag:s20] =	dma.local [hbm:s4], s18  }
0x9c: {  	_ =	swait.ge [sflag:s20], s18  }
0x9d: {  	s3 =	ssub.s32 $0x0, s18;
	[sflag:s20] =	ssyncset.done $0x0  }
0x9e: {  	[sflag:s20] =	ssyncadd.s32 s3;
	_ =	sdelay $0x1  }
0x9f: {  	s21 =	simm.s32 $0x1B8B  }
0xa0: {  	_ =	swait.ge [sflag:s21], $0x1  }
0xa1: {  	[sflag:s21] =	ssyncset.done $0x0  }
0xa2: {  	s23 =	simm.s32 $0x1B8E;
	s22 =	sld [smem:$0x3FFE];
	[sflag:s21] =	ssyncadd.s32 $0xFFFFFFFF  }
0xa3: {  	s24 =	simm.s32 $execute0_lowered;
	[smem:$0x3FD2] =	sst s23  }
0xa4: {  	s4 =	sshll.u32 s24, $0x1;
	_ =	strace $0x80000046;
	[dreg:$0x1] =	wrdreg $0xFFFFFFFF  }
0xa5: {  	s25 =	simm.s32 $_size_execute0_lowered;
	s2 =	sadd.s32 s2, s4;
	[dreg:$0x0] =	wrdreg $0x0  }
0xa6: {  	s4 =	sshll.u32 s25, $0x1;
	[dreg:$0x2] =	wrdreg s2  }
0xa7: {  	[dreg:$0x3] =	wrdreg s4  }
0xa8: {  	[dreg:$0x4] =	wrdreg $0xC0  }
0xa9: {  	_ =	task [dreg:s6], $0x5FFFF  }
0xaa: {  	[dreg:$0x1] =	wrdreg $0xFFFFFFFF  }
0xab: {  	[dreg:$0x0] =	wrdreg $0x60  }
0xac: {  	[dreg:$0x2] =	wrdreg s16  }
0xad: {  	[dreg:$0x3] =	wrdreg s22  }
0xae: {  	[dreg:$0x4] =	wrdreg s0  }
0xaf: {  	[dreg:$0x5] =	wrdreg $0xC1000  }
0xb0: {  	[dreg:$0x6] =	wrdreg $0x9  }
0xb1: {  	_ =	task.clear_ibuf [dreg:s6], $0x7FFFF;
	_ =	strace $0x90000046  }
0xb2: {  	s26 =	simm.s32 $0x9;
	_ =	strace $0x80000048  }
0xb3: {  	_ =	swait.ge [sflag:s26], $0x1  }
0xb4: {  	[sflag:s26] =	ssyncadd.s32 $0xFFFFFFFF  }
0xb5: {  	_ =	strace $0x90000048  }
0xb6: {  	_ =	sfence  }
0xb7: {  	s28 =	sld [smem:$0x0];
	_ =	sdelay $0x1  }
0xb8: {  	s29 =	srdreg.scid  }
0xb9: {  	s30 =	sshll.u32 s29, $0xD;
	s31 =	sshrl.u32 s29, $0x2  }
0xba: {  	s1 =	sand.u32 $0x1, s29;
	s2 =	sand.u32 $0x4000, s30;
	s0 =	sadd.s32 s31, s28  }
0xbb: {  	s1 =	sor.u32 s2, s1;
	s0 =	sshll.u32 s0, $0x11  }
0xbc: {  	s0 =	sor.u32 s0, s1  }
0xbd: {  	s0 =	sadd.s32 $0x8F2B, s0  }
0xbe: {  	[sflag:s0] =	ssyncadd.remote.s32 $0x1  }
0xbf: {  	_ =	sfence.sel $0xFFFF  }
0xc0: {  	[dreg:$0x0] =	wrdreg $0xFFFFFFFF;
	(pc) =	sbr.abs _section_cstart, $3  }
0xc1: {  	[dreg:$0x1] =	wrdreg $0xFFFFFFFF  }
0xc2: {  	_ =	task.clear_ibuf [dreg:s6], $0x2FFFF;
	_ =	strace $0x9FFFFFFF  }
0xc3: {  	(tm) =	ssettm $0x7FFFFFFF  }
tec
execute0_lowered:
.L_overlay_start_1:
0x0: {  	(tag) =	ssettag $0x1  }
0x1: {  	s8 =	rddreg [dreg:$0x0]  }
0x2: {  	s0 =	rddreg [dreg:$0x1]  }
0x3: {  	s1 =	rddreg [dreg:$0x2]  }
0x4: {  	s2 =	rddreg [dreg:$0x3];
	s3 =	simm.s32 $0x0  }
0x5: {  	s6 =	stileid.u32;
	[smem:$0x7FF] =	sst s3;
	s4 =	sadd.s32 $0xA00, s0  }
0x6: {  	s3 =	sadd.s32 $0x20A00, s0;
	s14 =	sshll.u32 s6, $0x7;
	s0 =	simm.s32 $0x40  }
0x7: {  	v0 =	vimm.s32 $0xFFFFFFFF;
	_ =	strace $0x80000047;
	s7 =	sadd.s32 s1, s14;
	s1 =	simm.s32 $0x0  }
.LBB2_1:
0x8: {  	p0 =	sne.s32 s0, $0x3FC0;
	[tilespmem:s1+$0x1000] =	vst v0;
	s1 =	smov.u32 s0;
	s0 =	sadd.s32 $0x40, s0  }
.Ltmp0:
0x9: {  	(pc) =	sbr.rel @p0 .LBB2_1-.Ltmp0, $2  }
0xa: {  	_ =	sdelay $0x2  }
0xb: {  	s1 =	sshra.s32 s1, $0x2  }
0xc: {  	s0 =	smul.u32 $0x3D0A0, s6;
	_ =	sdelay $0x1  }
0xd: {  	s0 =	sshrl.u32 s0, $0x2  }
0xe: {  	[tilespmem:s1+$0x1000] =	vst v0;
	s9 =	simm.s32 $0x1000;
	s0 =	sadd.s32 s0, s2  }
0xf: {  	[spmem:s0] =	stream.linear.scatter [tilespmem:s9], [sflag:$0x2], $0x1000, $0x38;
	[tilespmem:$0x1B5A8] =	vst v63  }
0x10: {  	s5 =	sadd.s32 $0x1000, s0  }
0x11: {  	[spmem:s5] =	stream.linear.scatter [tilespmem:s9], [sflag:$0x2], $0x1000, $0x38;
	[tilespmem:$0x1B5A8] =	vst v63  }
0x12: {  	s10 =	sadd.s32 $0x2000, s0  }
0x13: {  	[spmem:s10] =	stream.linear.scatter [tilespmem:s9], [sflag:$0x2], $0x1000, $0x38;
	[tilespmem:$0x1B5A8] =	vst v63  }
0x14: {  	s11 =	sadd.s32 $0x3000, s0  }
0x15: {  	[spmem:s11] =	stream.linear.scatter [tilespmem:s9], [sflag:$0x2], $0x1000, $0x38;
	[tilespmem:$0x1B5A8] =	vst v63  }
0x16: {  	s12 =	sadd.s32 $0x4000, s0  }
0x17: {  	[spmem:s12] =	stream.linear.scatter [tilespmem:s9], [sflag:$0x2], $0x1000, $0x38;
	[tilespmem:$0x1B5A8] =	vst v63  }
0x18: {  	s13 =	sadd.s32 $0x5000, s0  }
0x19: {  	[spmem:s13] =	stream.linear.scatter [tilespmem:s9], [sflag:$0x2], $0x1000, $0x38;
	[tilespmem:$0x1B5A8] =	vst v63  }
0x1a: {  	s15 =	sadd.s32 $0x6000, s0  }
0x1b: {  	[spmem:s15] =	stream.linear.scatter [tilespmem:s9], [sflag:$0x2], $0x1000, $0x38;
	[tilespmem:$0x1B5A8] =	vst v63  }
0x1c: {  	s16 =	sadd.s32 $0x7000, s0  }
0x1d: {  	[spmem:s16] =	stream.linear.scatter [tilespmem:s9], [sflag:$0x2], $0x1000, $0x38;
	[tilespmem:$0x1B5A8] =	vst v63  }
0x1e: {  	s17 =	sadd.s32 $0x8000, s0  }
0x1f: {  	[spmem:s17] =	stream.linear.scatter [tilespmem:s9], [sflag:$0x2], $0x1000, $0x38;
	[tilespmem:$0x1B5A8] =	vst v63  }
0x20: {  	s18 =	sadd.s32 $0x9000, s0  }
0x21: {  	[spmem:s18] =	stream.linear.scatter [tilespmem:s9], [sflag:$0x2], $0x1000, $0x38;
	[tilespmem:$0x1B5A8] =	vst v63  }
0x22: {  	s19 =	sadd.s32 $0xA000, s0  }
0x23: {  	[spmem:s19] =	stream.linear.scatter [tilespmem:s9], [sflag:$0x2], $0x1000, $0x38;
	[tilespmem:$0x1B5A8] =	vst v63  }
0x24: {  	s20 =	sadd.s32 $0xB000, s0  }
0x25: {  	[spmem:s20] =	stream.linear.scatter [tilespmem:s9], [sflag:$0x2], $0x1000, $0x38;
	[tilespmem:$0x1B5A8] =	vst v63  }
0x26: {  	s21 =	sadd.s32 $0xC000, s0  }
0x27: {  	[spmem:s21] =	stream.linear.scatter [tilespmem:s9], [sflag:$0x2], $0x1000, $0x38;
	[tilespmem:$0x1B5A8] =	vst v63  }
0x28: {  	s22 =	sadd.s32 $0xD000, s0  }
0x29: {  	[spmem:s22] =	stream.linear.scatter [tilespmem:s9], [sflag:$0x2], $0x1000, $0x38;
	[tilespmem:$0x1B5A8] =	vst v63  }
0x2a: {  	p0 =	seq.s32 s6, $0xF;
	s23 =	sadd.s32 $0xE000, s0  }
0x2b: {  	[spmem:s23] =	stream.linear.scatter [tilespmem:s9], [sflag:$0x2], $0x1000, $0x38;
	[tilespmem:$0x1B5A8] =	vst v63  }
0x2c: {  	s1 =	sadd.s32 @p0 $0xF3E58, s2;
	s5 =	simm.s32 @p0 $0x1000  }
0x2d: {  	[spmem:s1] =	stream.linear.scatter @p0 [tilespmem:s5], [sflag:$0x2], $0x3E8, $0x38;
	[tilespmem:$0x1B5A8] =	vst v63  }
0x2e: {  	s0 =	sadd.s32 @!p0 $0xF000, s0;
	s1 =	simm.s32 @!p0 $0x1000  }
0x2f: {  	[spmem:s0] =	stream.linear.scatter @!p0 [tilespmem:s1], [sflag:$0x2], $0x428, $0x38;
	[tilespmem:$0x1B5A8] =	vst v63  }
0x30: {  	[dreg:$0x5] =	wrdreg s7;
	s24 =	simm.s32 $0x5;
	s0 =	simm.s32 $0x0  }
0x31: {  	[tilespmem:s0], [sflag:$0x5] =	stream.linear.gather [hbm4b:s7+s0], $0x400, $0x38;
	[tilespmem:$0x1B5A8] =	vst v63  }
0x32: {  	_ =	swait.ge [sflag:s24], $0x400  }
0x33: {  	[sflag:s24] =	ssyncset.done $0x0  }
0x34: {  	s25 =	simm.s32 $0x2;
	[sflag:s24] =	ssyncadd.s32 $0xFFFFFC00  }
0x35: {  	_ =	swait.ge [sflag:s25], $0x1000  }
0x36: {  	[sflag:s25] =	ssyncset.done $0x0  }
0x37: {  	[sflag:s25] =	ssyncadd.s32 $0xFFFFF000  }
0x38: {  	_ =	swait.ge [sflag:s25], $0x1000  }
0x39: {  	[sflag:s25] =	ssyncset.done $0x0  }
0x3a: {  	[sflag:s25] =	ssyncadd.s32 $0xFFFFF000  }
0x3b: {  	_ =	swait.ge [sflag:s25], $0x1000  }
0x3c: {  	[sflag:s25] =	ssyncset.done $0x0  }
0x3d: {  	[sflag:s25] =	ssyncadd.s32 $0xFFFFF000  }
0x3e: {  	_ =	swait.ge [sflag:s25], $0x1000  }
0x3f: {  	[sflag:s25] =	ssyncset.done $0x0  }
0x40: {  	[sflag:s25] =	ssyncadd.s32 $0xFFFFF000  }
0x41: {  	_ =	swait.ge [sflag:s25], $0x1000  }
0x42: {  	[sflag:s25] =	ssyncset.done $0x0  }
0x43: {  	[sflag:s25] =	ssyncadd.s32 $0xFFFFF000  }
0x44: {  	_ =	swait.ge [sflag:s25], $0x1000  }
0x45: {  	[sflag:s25] =	ssyncset.done $0x0  }
0x46: {  	[sflag:s25] =	ssyncadd.s32 $0xFFFFF000  }
0x47: {  	_ =	swait.ge [sflag:s25], $0x1000  }
0x48: {  	[sflag:s25] =	ssyncset.done $0x0  }
0x49: {  	[sflag:s25] =	ssyncadd.s32 $0xFFFFF000  }
0x4a: {  	_ =	swait.ge [sflag:s25], $0x1000  }
0x4b: {  	[sflag:s25] =	ssyncset.done $0x0  }
0x4c: {  	[sflag:s25] =	ssyncadd.s32 $0xFFFFF000  }
0x4d: {  	_ =	swait.ge [sflag:s25], $0x1000  }
0x4e: {  	[sflag:s25] =	ssyncset.done $0x0  }
0x4f: {  	[sflag:s25] =	ssyncadd.s32 $0xFFFFF000  }
0x50: {  	_ =	swait.ge [sflag:s25], $0x1000  }
0x51: {  	[sflag:s25] =	ssyncset.done $0x0  }
0x52: {  	[sflag:s25] =	ssyncadd.s32 $0xFFFFF000  }
0x53: {  	_ =	swait.ge [sflag:s25], $0x1000  }
0x54: {  	[sflag:s25] =	ssyncset.done $0x0  }
0x55: {  	[sflag:s25] =	ssyncadd.s32 $0xFFFFF000  }
0x56: {  	_ =	swait.ge [sflag:s25], $0x1000  }
0x57: {  	[sflag:s25] =	ssyncset.done $0x0  }
0x58: {  	[sflag:s25] =	ssyncadd.s32 $0xFFFFF000  }
0x59: {  	_ =	swait.ge [sflag:s25], $0x1000  }
0x5a: {  	[sflag:s25] =	ssyncset.done $0x0  }
0x5b: {  	[sflag:s25] =	ssyncadd.s32 $0xFFFFF000  }
0x5c: {  	_ =	swait.ge [sflag:s25], $0x1000  }
0x5d: {  	[sflag:s25] =	ssyncset.done $0x0  }
0x5e: {  	[sflag:s25] =	ssyncadd.s32 $0xFFFFF000  }
0x5f: {  	_ =	swait.ge [sflag:s25], $0x1000  }
0x60: {  	s26 =	smul.u32 $0x7A100, s6;
	s30 =	sadd.s32 $0x7A0F00, s8;
	[sflag:s25] =	ssyncset.done $0x0  }
0x61: {  	s31 =	sadd.s32 $0x7A0F00, s3;
	s1 =	simm.s32 @p0 $0x2;
	[sflag:s25] =	ssyncadd.s32 $0xFFFFF000  }
0x62: {  	s28 =	sadd.s32 s8, s26;
	s5 =	sadd.s32 $0x7A000, s26;
	_ =	swait.ge @p0 [sflag:s1], $0x3E8  }
0x63: {  	s11 =	smul.u32 $0x3D0800, s6;
	s29 =	sadd.s32 s8, s5;
	[sflag:s1] =	ssyncset.done @p0 $0x0  }
0x64: {  	[dreg:$0xa] =	wrdreg s28;
	[sflag:s1] =	ssyncadd.s32 @p0 $0xFFFFFC18;
	s1 =	simm.s32 @!p0 $0x2  }
0x65: {  	s5 =	sadd.s32 s3, s5;
	_ =	swait.ge @!p0 [sflag:s1], $0x428;
	[dreg:$0x7] =	wrdreg s29  }
0x66: {  	s19 =	sshll.u32 s6, $0xA;
	s9 =	simm.s32 $0x0;
	[dreg:$0x6] =	wrdreg s5  }
0x67: {  	s8 =	smov.u32 s19;
	[dreg:$0x9] =	wrdreg s30;
	[sflag:s1] =	ssyncset.done @!p0 $0x0  }
0x68: {  	s7 =	simm.s32 $0x80;
	[dreg:$0x8] =	wrdreg s31;
	[sflag:s1] =	ssyncadd.s32 @!p0 $0xFFFFFBD8  }
0x69: {  	v0 =	vlaneseq.u32;
	s5 =	simm.s32 $0x800;
	s1 =	simm.s32 $0xC00;
	[bflag:$0x0] =	sbarrier.arrive $0xFFFF  }
.LBB2_3:
0x6a: {  	v3 =	vmov s0;
	_ =	sdelay $0x3  }
0x6b: {  	s6 =	simm.s32 $0x0  }
0x6c: {  	v1 =	vmov s5;
	v4 =	vld.idx.msk [tilespmem:v3+s6+$0x0 ss:$0x1], $0xffff  }
0x6d: {  	v2 =	vmov s1;
	_ =	sdelay $0x3  }
0x6e: {  	[tilespmem:v1+s6+$0x0 ss:$0x1] =	vst.idx.msk $0xffff, v4;
	v4 =	vor.u32 s8, v0  }
0x6f: {  	s10 =	simm.s32 $0x10;
	[tilespmem:v2+s6+$0x0 ss:$0x1] =	vst.idx.msk $0xffff, v4  }
0x70: {  	s13 =	simm.s32 $0x80;
	s12 =	smov.u32 s8;
	s6 =	sshll.u32 s9, $0x7;
	v4 =	vld.idx.msk [tilespmem:v3+s10+$0x0 ss:$0x1], $0xffff  }
.LBB2_4:
0x71: {  	p1 =	sne.s32 s13, $0x1C0;
	_ =	sdelay $0x2  }
.Ltmp1:
0x72: {  	(pc) =	sbr.rel @p1 .LBB2_4-.Ltmp1, $4  }
0x73: {  	s12 =	sadd.s32 $0x10, s12  }
0x74: {  	[tilespmem:v1+s10+$0x0 ss:$0x1] =	vst.idx.msk $0xffff, v4;
	v4 =	vor.u32 s12, v0  }
0x75: {  	[tilespmem:v2+s10+$0x0 ss:$0x1] =	vst.idx.msk $0xffff, v4;
	s10 =	sshra.s32 s13, $0x2  }
0x76: {  	s13 =	sadd.s32 $0x40, s13;
	v4 =	vld.idx.msk [tilespmem:v3+s10+$0x0 ss:$0x1], $0xffff  }
0x77: {  	s9 =	sadd.s32 $0x1, s9  }
0x78: {  	p1 =	sne.s32 s9, $0x8  }
.Ltmp2:
0x79: {  	_ = 	snop;
	(pc) =	sbr.rel @p1 .LBB2_3-.Ltmp2, $4  }
0x7a: {  	s12 =	sadd.s32 $0x10, s12  }
0x7b: {  	s30 =	sadd.s32 $0xC00, s6;
	s31 =	sadd.s32 $0x800, s6;
	s8 =	sadd.s32 $0x80, s8;
	[tilespmem:v1+s10+$0x0 ss:$0x1] =	vst.idx.msk $0xffff, v4;
	v1 =	vor.u32 s12, v0  }
0x7c: {  	s1 =	sadd.s32 $0x80, s1;
	s5 =	sadd.s32 $0x80, s5;
	s0 =	sadd.s32 $0x80, s0;
	[tilespmem:v2+s10+$0x0 ss:$0x1] =	vst.idx.msk $0xffff, v1  }
0x7d: {  	[spmem:s2] =	stream.indirect.scatter [tilespmem:s30], [sflag:$0x2], $0x1, s31, s7, $0xb8;
	[tilespmem:$0x1B5A8] =	vst v63  }
0x7e: {  	s15 =	simm.s32 $0x2  }
0x7f: {  	_ =	swait.ge [sflag:s15], $0x80  }
0x80: {  	[sflag:s15] =	ssyncset.done $0x0  }
0x81: {  	[sflag:s15] =	ssyncadd.s32 $0xFFFFFF80  }
0x82: {  	_ =	swait.ge [sflag:s15], $0x80  }
0x83: {  	[sflag:s15] =	ssyncset.done $0x0  }
0x84: {  	[sflag:s15] =	ssyncadd.s32 $0xFFFFFF80  }
0x85: {  	_ =	swait.ge [sflag:s15], $0x80  }
0x86: {  	[sflag:s15] =	ssyncset.done $0x0  }
0x87: {  	[sflag:s15] =	ssyncadd.s32 $0xFFFFFF80  }
0x88: {  	_ =	swait.ge [sflag:s15], $0x80  }
0x89: {  	[sflag:s15] =	ssyncset.done $0x0  }
0x8a: {  	[sflag:s15] =	ssyncadd.s32 $0xFFFFFF80  }
0x8b: {  	_ =	swait.ge [sflag:s15], $0x80  }
0x8c: {  	[sflag:s15] =	ssyncset.done $0x0  }
0x8d: {  	[sflag:s15] =	ssyncadd.s32 $0xFFFFFF80  }
0x8e: {  	_ =	swait.ge [sflag:s15], $0x80  }
0x8f: {  	[sflag:s15] =	ssyncset.done $0x0  }
0x90: {  	[sflag:s15] =	ssyncadd.s32 $0xFFFFFF80  }
0x91: {  	s18 =	sadd.s32 $0xF4240, s14;
	s17 =	simm.s32 $0x80;
	_ =	swait.ge [sflag:s15], $0x80  }
0x92: {  	s21 =	simm.s32 $0x180;
	s22 =	simm.s32 $0x580;
	[sflag:s15] =	ssyncset.done $0x0  }
0x93: {  	s23 =	simm.s32 $0x200;
	s24 =	simm.s32 $0x600;
	[sflag:s15] =	ssyncadd.s32 $0xFFFFFF80  }
0x94: {  	s25 =	simm.s32 $0x280;
	s26 =	simm.s32 $0x680;
	_ =	swait.ge [sflag:s15], $0x80  }
0x95: {  	s28 =	simm.s32 $0x300;
	s29 =	simm.s32 $0x700;
	[sflag:s15] =	ssyncset.done $0x0  }
0x96: {  	s30 =	simm.s32 $0x380;
	s31 =	simm.s32 $0x780;
	[sflag:s15] =	ssyncadd.s32 $0xFFFFFF80  }
0x97: {  	s0 =	simm.s32 $0x1;
	v0 =	vlaneseq.u32;
	s7 =	simm.s32 $0x0;
	[bflag:$0x0] =	sbarrier.arrive $0xFFFF  }
.LBB2_7:
0x98: {  	s8 =	simm.s32 $0x400;
	s1 =	simm.s32 $0x0  }
0x99: {  	[tilespmem:s8], [sflag:$0x1] =	stream.indirect.gather [spmem:s2], $0x1, s1, s17, $0xb8;
	[tilespmem:$0x1B5A8] =	vst v63  }
0x9a: {  	s16 =	simm.s32 $0x480  }
0x9b: {  	[tilespmem:s16], [sflag:$0x1] =	stream.indirect.gather [spmem:s2], $0x1, s17, s17, $0xb8;
	[tilespmem:$0x1B5A8] =	vst v63  }
0x9c: {  	s20 =	simm.s32 $0x100;
	s5 =	simm.s32 $0x500  }
0x9d: {  	[tilespmem:s5], [sflag:$0x1] =	stream.indirect.gather [spmem:s2], $0x1, s20, s17, $0xb8;
	[tilespmem:$0x1B5A8] =	vst v63  }
0x9e: {  	_ = 	snop  }
0x9f: {  	[tilespmem:s22], [sflag:$0x1] =	stream.indirect.gather [spmem:s2], $0x1, s21, s17, $0xb8;
	[tilespmem:$0x1B5A8] =	vst v63  }
0xa0: {  	_ = 	snop  }
0xa1: {  	[tilespmem:s24], [sflag:$0x1] =	stream.indirect.gather [spmem:s2], $0x1, s23, s17, $0xb8;
	[tilespmem:$0x1B5A8] =	vst v63  }
0xa2: {  	_ = 	snop  }
0xa3: {  	[tilespmem:s26], [sflag:$0x1] =	stream.indirect.gather [spmem:s2], $0x1, s25, s17, $0xb8;
	[tilespmem:$0x1B5A8] =	vst v63  }
0xa4: {  	_ = 	snop  }
0xa5: {  	[tilespmem:s29], [sflag:$0x1] =	stream.indirect.gather [spmem:s2], $0x1, s28, s17, $0xb8;
	[tilespmem:$0x1B5A8] =	vst v63  }
0xa6: {  	_ = 	snop  }
0xa7: {  	[tilespmem:s31], [sflag:$0x1] =	stream.indirect.gather [spmem:s2], $0x1, s30, s17, $0xb8;
	[tilespmem:$0x1B5A8] =	vst v63  }
0xa8: {  	_ =	swait.ge [sflag:s0], $0x80  }
0xa9: {  	[sflag:s0] =	ssyncset.done $0x0  }
0xaa: {  	[sflag:s0] =	ssyncadd.s32 $0xFFFFFF80  }
0xab: {  	_ =	swait.ge [sflag:s0], $0x80  }
0xac: {  	[sflag:s0] =	ssyncset.done $0x0  }
0xad: {  	[sflag:s0] =	ssyncadd.s32 $0xFFFFFF80  }
0xae: {  	_ =	swait.ge [sflag:s0], $0x80  }
0xaf: {  	[sflag:s0] =	ssyncset.done $0x0  }
0xb0: {  	[sflag:s0] =	ssyncadd.s32 $0xFFFFFF80  }
0xb1: {  	_ =	swait.ge [sflag:s0], $0x80  }
0xb2: {  	[sflag:s0] =	ssyncset.done $0x0  }
0xb3: {  	[sflag:s0] =	ssyncadd.s32 $0xFFFFFF80  }
0xb4: {  	_ =	swait.ge [sflag:s0], $0x80  }
0xb5: {  	[sflag:s0] =	ssyncset.done $0x0  }
0xb6: {  	[sflag:s0] =	ssyncadd.s32 $0xFFFFFF80  }
0xb7: {  	_ =	swait.ge [sflag:s0], $0x80  }
0xb8: {  	[sflag:s0] =	ssyncset.done $0x0  }
0xb9: {  	[sflag:s0] =	ssyncadd.s32 $0xFFFFFF80  }
0xba: {  	_ =	swait.ge [sflag:s0], $0x80  }
0xbb: {  	[sflag:s0] =	ssyncset.done $0x0  }
0xbc: {  	[sflag:s0] =	ssyncadd.s32 $0xFFFFFF80  }
0xbd: {  	_ =	swait.ge [sflag:s0], $0x80  }
0xbe: {  	[sflag:s0] =	ssyncset.done $0x0  }
0xbf: {  	s9 =	simm.s32 $0x0;
	s10 =	smov.u32 s19;
	[sflag:s0] =	ssyncadd.s32 $0xFFFFFF80  }
0xc0: {  	s1 =	simm.s32 $0x800;
	s5 =	simm.s32 $0x0;
	[bflag:$0x0] =	sbarrier.arrive $0xFFFF  }
.LBB2_8:
0xc1: {  	v3 =	vmov s8  }
0xc2: {  	v2 =	vmov s9;
	_ =	sdelay $0x2  }
0xc3: {  	s13 =	simm.s32 $0x0  }
0xc4: {  	v4 =	vld.idx.msk [tilespmem:v3+s13+$0x0 ss:$0x1], $0xffff  }
0xc5: {  	v5 =	vld.idx.msk [tilespmem:v2+s13+$0x0 ss:$0x1], $0xffff  }
0xc6: {  	v1 =	vmov s1;
	_ =	sdelay $0x1  }
0xc7: {  	v6 =	vor.u32 s10, v0  }
0xc8: {  	vm0 =	vlt.s32 v4, v6;
	v4 =	vor.u32 s18, v0  }
0xc9: {  	s12 =	sshll.u32 s5, $0x7;
	s16 =	simm.s32 $0x10;
	s20 =	simm.s32 $0x80;
	v4 =	vsel vm0, v5, v4  }
0xca: {  	s14 =	smov.u32 s18;
	s6 =	sadd.s32 $0x800, s12;
	[tilespmem:v1+s13+$0x0 ss:$0x1] =	vst.idx.msk $0xffff, v4;
	s13 =	smov.u32 s10  }
.LBB2_9:
0xcb: {  	p1 =	sne.s32 s20, $0x1C0;
	v4 =	vld.idx.msk [tilespmem:v3+s16+$0x0 ss:$0x1], $0xffff  }
0xcc: {  	v5 =	vld.idx.msk [tilespmem:v2+s16+$0x0 ss:$0x1], $0xffff;
	_ =	sdelay $0x2  }
.Ltmp3:
0xcd: {  	s13 =	sadd.s32 $0x10, s13;
	(pc) =	sbr.rel @p1 .LBB2_9-.Ltmp3, $4  }
0xce: {  	s14 =	sadd.s32 $0x10, s14;
	v6 =	vor.u32 s13, v0  }
0xcf: {  	vm0 =	vlt.s32 v4, v6;
	v4 =	vor.u32 s14, v0  }
0xd0: {  	v4 =	vsel vm0, v5, v4  }
0xd1: {  	[tilespmem:v1+s16+$0x0 ss:$0x1] =	vst.idx.msk $0xffff, v4;
	s16 =	sshra.s32 s20, $0x2;
	s20 =	sadd.s32 $0x40, s20  }
0xd2: {  	_ =	sdelay $0x3  }
0xd3: {  	v3 =	vld.idx.msk [tilespmem:v3+s16+$0x0 ss:$0x1], $0xffff  }
0xd4: {  	v2 =	vld.idx.msk [tilespmem:v2+s16+$0x0 ss:$0x1], $0xffff  }
0xd5: {  	s5 =	sadd.s32 $0x1, s5  }
0xd6: {  	s13 =	sadd.s32 $0x10, s13;
	p1 =	sne.s32 s5, $0x8  }
.Ltmp4:
0xd7: {  	s20 =	sadd.s32 $0x10, s14;
	v4 =	vor.u32 s13, v0;
	(pc) =	sbr.rel @p1 .LBB2_8-.Ltmp4, $4  }
0xd8: {  	vm0 =	vlt.s32 v3, v4;
	v3 =	vor.u32 s20, v0  }
0xd9: {  	s12 =	sadd.s32 $0xC00, s12;
	s10 =	sadd.s32 $0x80, s10;
	v2 =	vsel vm0, v2, v3  }
0xda: {  	s8 =	sadd.s32 $0x80, s8;
	s9 =	sadd.s32 $0x80, s9;
	s1 =	sadd.s32 $0x80, s1;
	[tilespmem:v1+s16+$0x0 ss:$0x1] =	vst.idx.msk $0xffff, v2  }
0xdb: {  	[spmem:s2] =	stream.indirect.scatter [tilespmem:s12], [sflag:$0x2], $0x1, s6, s17, $0xb8;
	[tilespmem:$0x1B5A8] =	vst v63  }
0xdc: {  	_ =	swait.ge [sflag:s15], $0x80  }
0xdd: {  	[sflag:s15] =	ssyncset.done $0x0  }
0xde: {  	[sflag:s15] =	ssyncadd.s32 $0xFFFFFF80  }
0xdf: {  	_ =	swait.ge [sflag:s15], $0x80  }
0xe0: {  	[sflag:s15] =	ssyncset.done $0x0  }
0xe1: {  	[sflag:s15] =	ssyncadd.s32 $0xFFFFFF80  }
0xe2: {  	_ =	swait.ge [sflag:s15], $0x80  }
0xe3: {  	[sflag:s15] =	ssyncset.done $0x0  }
0xe4: {  	[sflag:s15] =	ssyncadd.s32 $0xFFFFFF80  }
0xe5: {  	_ =	swait.ge [sflag:s15], $0x80  }
0xe6: {  	[sflag:s15] =	ssyncset.done $0x0  }
0xe7: {  	[sflag:s15] =	ssyncadd.s32 $0xFFFFFF80  }
0xe8: {  	_ =	swait.ge [sflag:s15], $0x80  }
0xe9: {  	[sflag:s15] =	ssyncset.done $0x0  }
0xea: {  	[sflag:s15] =	ssyncadd.s32 $0xFFFFFF80  }
0xeb: {  	_ =	swait.ge [sflag:s15], $0x80  }
0xec: {  	[sflag:s15] =	ssyncset.done $0x0  }
0xed: {  	[sflag:s15] =	ssyncadd.s32 $0xFFFFFF80  }
0xee: {  	_ =	swait.ge [sflag:s15], $0x80  }
0xef: {  	s7 =	sadd.s32 $0x1, s7;
	[sflag:s15] =	ssyncset.done $0x0  }
0xf0: {  	p1 =	sne.s32 s7, $0x4;
	[sflag:s15] =	ssyncadd.s32 $0xFFFFFF80  }
.Ltmp5:
0xf1: {  	_ =	swait.ge [sflag:s15], $0x80;
	(pc) =	sbr.rel @p1 .LBB2_7-.Ltmp5, $3  }
0xf2: {  	[sflag:s15] =	ssyncset.done $0x0  }
0xf3: {  	[sflag:s15] =	ssyncadd.s32 $0xFFFFFF80  }
0xf4: {  	[bflag:$0x0] =	sbarrier.arrive $0xFFFF;
	_ =	sdelay $0x1  }
.Ltmp6:
0xf5: {  	(pc) =	sbr.rel .LBB2_13-.Ltmp6, $4  }
0xf6: {  	_ = 	snop  }
0xf7: {  	s0 =	simm.s32 $0x0;
	s1 =	simm.s32 $0x4100;
	s5 =	rddreg [dreg:$0xa]  }
0xf8: {  	[tilespmem:s1], [sflag:$0x3] =	stream.linear.gather [hbm4b:s5+s0], $0x4000, $0x38;
	[tilespmem:$0x1B5A8] =	vst v63  }
0xf9: {  	s10 =	rddreg [dreg:$0x0];
	s1 =	simm.s32 $0x3;
	s5 =	simm.s32 $0x0  }
.LBB2_15:
0xfa: {  	s5 =	sshll.u32 s5, $0xE;
	p1 =	slt.u32 s6, $0xF4  }
.Ltmp7:
0xfb: {  	_ =	swait.ge [sflag:s1], $0x4000;
	s5 =	sadd.s32 s11, s5;
	(pc) =	sbr.rel @!p1 .LBB2_16-.Ltmp7, $4  }
0xfc: {  	s7 =	sshll.u32 s7, $0xE;
	[sflag:s1] =	ssyncset.done $0x0;
	s5 =	sshrl.u32 s5, $0x3  }
0xfd: {  	s7 =	sadd.s32 $0x4100, s7;
	[sflag:s1] =	ssyncadd.s32 $0xFFFFC000;
	s5 =	sadd.s32 s3, s5  }
0xfe: {  	[hbm4b:s5+s0] =	stream.linear.scatter [tilespmem:s7], [sflag:$0x4], $0x4000, $0x38;
	[tilespmem:$0x1B5A8] =	vst v63  }
0xff: {  	s5 =	smov.u32 s6  }
.LBB2_13:
0x100: {  	p1 =	seq.s32 s5, $0x0  }
0x101: {  	p2 =	seq.s32 @!p1 s5, $0xF3  }
0x102: {  	p2 =	por p1, !p2  }
.Ltmp8:
0x103: {  	_ = 	snop;
	(pc) =	sbr.rel @!p2 .LBB2_15-.Ltmp8, $4  }
0x104: {  	s6 =	simm.s32 @!p1 $0x4  }
0x105: {  	_ =	swait.ge @!p1 [sflag:s6], $0x4000  }
0x106: {  	[sflag:s6] =	ssyncset.done @!p1 $0x0  }
0x107: {  	s7 =	sand.u32 $0x1, s5;
	[sflag:s6] =	ssyncadd.s32 @!p1 $0xFFFFC000;
	s6 =	simm.s32 @!p1 $0xF4  }
0x108: {  	s6 =	sadd.s32 @!p1 $0x1, s5  }
0x109: {  	s6 =	simm.s32 @p1 $0x1  }
.Ltmp9:
0x10a: {  	s8 =	sshll.u32 s6, $0xE;
	(pc) =	sbr.rel .LBB2_15-.Ltmp9, $4  }
0x10b: {  	s9 =	sshll.u32 s7, $0xE;
	s8 =	sadd.s32 s11, s8  }
0x10c: {  	s9 =	sxor.u32 $0x4000, s9;
	s8 =	sshrl.u32 s8, $0x3  }
0x10d: {  	s9 =	sadd.s32 $0x4100, s9;
	s8 =	sadd.s32 s10, s8  }
0x10e: {  	[tilespmem:s9], [sflag:$0x3] =	stream.linear.gather [hbm4b:s8+s0], $0x4000, $0x38;
	[tilespmem:$0x1B5A8] =	vst v63  }
.LBB2_16:
0x10f: {  	s0 =	simm.s32 $0x4  }
0x110: {  	_ =	swait.ge [sflag:s0], $0x4000  }
0x111: {  	s1 =	simm.s32 @p0 $0x4100;
	[sflag:s0] =	ssyncset.done $0x0  }
0x112: {  	s5 =	rddreg [dreg:$0x9];
	[sflag:s0] =	ssyncadd.s32 $0xFFFFC000;
	s0 =	simm.s32 @p0 $0x0  }
0x113: {  	[tilespmem:s1], [sflag:$0x3] =	stream.linear.gather @p0 [hbm4b:s5+s0], $0x1800, $0x38;
	[tilespmem:$0x1B5A8] =	vst v63  }
0x114: {  	s5 =	simm.s32 @p0 $0x3  }
0x115: {  	_ =	swait.ge @p0 [sflag:s5], $0x1800  }
0x116: {  	[sflag:s5] =	ssyncset.done @p0 $0x0  }
0x117: {  	[sflag:s5] =	ssyncadd.s32 @p0 $0xFFFFE800;
	s5 =	rddreg [dreg:$0x8]  }
0x118: {  	[hbm4b:s5+s0] =	stream.linear.scatter @p0 [tilespmem:s1], [sflag:$0x4], $0x1800, $0x38;
	[tilespmem:$0x1B5A8] =	vst v63  }
0x119: {  	s0 =	simm.s32 @p0 $0x4  }
0x11a: {  	_ =	swait.ge @p0 [sflag:s0], $0x1800  }
0x11b: {  	s1 =	simm.s32 @!p0 $0x4100;
	[sflag:s0] =	ssyncset.done @p0 $0x0  }
0x11c: {  	s5 =	rddreg [dreg:$0x7];
	[sflag:s0] =	ssyncadd.s32 @p0 $0xFFFFE800;
	s0 =	simm.s32 @!p0 $0x0  }
0x11d: {  	[tilespmem:s1], [sflag:$0x3] =	stream.linear.gather @!p0 [hbm4b:s5+s0], $0x800, $0x38;
	[tilespmem:$0x1B5A8] =	vst v63  }
0x11e: {  	s5 =	simm.s32 @!p0 $0x3  }
0x11f: {  	_ =	swait.ge @!p0 [sflag:s5], $0x800  }
0x120: {  	[sflag:s5] =	ssyncset.done @!p0 $0x0  }
0x121: {  	[sflag:s5] =	ssyncadd.s32 @!p0 $0xFFFFF800;
	s5 =	rddreg [dreg:$0x6]  }
0x122: {  	[hbm4b:s5+s0] =	stream.linear.scatter @!p0 [tilespmem:s1], [sflag:$0x4], $0x800, $0x38;
	[tilespmem:$0x1B5A8] =	vst v63  }
0x123: {  	s0 =	simm.s32 @!p0 $0x4  }
0x124: {  	_ =	swait.ge @!p0 [sflag:s0], $0x800  }
0x125: {  	[sflag:s0] =	ssyncset.done @!p0 $0x0  }
0x126: {  	[sflag:s0] =	ssyncadd.s32 @!p0 $0xFFFFF800  }
0x127: {  	[bflag:$0x0] =	sbarrier.arrive $0xFFFF  }
0x128: {  	s28 =	simm.s32 $0x0;
	s30 =	simm.s32 $0x5;
	s29 =	rddreg [dreg:$0x5]  }
0x129: {  	[tilespmem:s28], [sflag:$0x5] =	stream.linear.gather [hbm4b:s29+s28], $0x400, $0x38;
	[tilespmem:$0x1B5A8] =	vst v63  }
0x12a: {  	_ =	swait.ge [sflag:s30], $0x400  }
0x12b: {  	s6 =	simm.s32 $0x400;
	[sflag:s30] =	ssyncset.done $0x0  }
0x12c: {  	s31 =	simm.s32 $0x0;
	s5 =	simm.s32 $0x80;
	[sflag:s30] =	ssyncadd.s32 $0xFFFFFC00  }
0x12d: {  	[tilespmem:s6], [sflag:$0x1] =	stream.indirect.gather [spmem:s2], $0x1, s31, s5, $0xb8;
	[tilespmem:$0x1B5A8] =	vst v63  }
0x12e: {  	v0 =	vld [tilespmem:s31+$0x0];
	_ =	sdelay $0x4  }
0x12f: {  	[tilespmem:$0x2000] =	vst v0  }
0x130: {  	v0 =	vld [tilespmem:s31+$0x10];
	_ =	sdelay $0x4  }
0x131: {  	[tilespmem:$0x2010] =	vst v0  }
0x132: {  	v0 =	vld [tilespmem:s31+$0x20];
	_ =	sdelay $0x4  }
0x133: {  	[tilespmem:$0x2020] =	vst v0  }
0x134: {  	v0 =	vld [tilespmem:s31+$0x30];
	_ =	sdelay $0x4  }
0x135: {  	[tilespmem:$0x2030] =	vst v0  }
0x136: {  	v0 =	vld [tilespmem:s31+$0x40];
	_ =	sdelay $0x4  }
0x137: {  	[tilespmem:$0x2040] =	vst v0  }
0x138: {  	v0 =	vld [tilespmem:s31+$0x50];
	_ =	sdelay $0x4  }
0x139: {  	[tilespmem:$0x2050] =	vst v0  }
0x13a: {  	v0 =	vld [tilespmem:s31+$0x60];
	_ =	sdelay $0x4  }
0x13b: {  	[tilespmem:$0x2060] =	vst v0  }
0x13c: {  	v0 =	vld [tilespmem:s31+$0x70];
	_ =	sdelay $0x4  }
0x13d: {  	s7 =	simm.s32 $0x1;
	[tilespmem:$0x2070] =	vst v0  }
0x13e: {  	_ =	swait.ge [sflag:s7], $0x80  }
0x13f: {  	[sflag:s7] =	ssyncset.done $0x0  }
0x140: {  	[sflag:s7] =	ssyncadd.s32 $0xFFFFFF80  }
0x141: {  	v61 =	vld [tilespmem:$0x470]  }
0x142: {  	v1 =	vld [tilespmem:$0x450]  }
0x143: {  	v2 =	vld [tilespmem:$0x460]  }
0x144: {  	v3 =	vld [tilespmem:$0x430]  }
0x145: {  	v4 =	vld [tilespmem:$0x400]  }
0x146: {  	v5 =	vld [tilespmem:$0x440];
	[tilespmem:$0x20F0] =	vst v61  }
0x147: {  	v62 =	vld [tilespmem:$0x420];
	[tilespmem:$0x20D0] =	vst v1  }
0x148: {  	v63 =	vld [tilespmem:$0x410];
	[tilespmem:$0x20E0] =	vst v2  }
0x149: {  	[tilespmem:$0x20B0] =	vst v3  }
0x14a: {  	[tilespmem:$0x2080] =	vst v4  }
0x14b: {  	[tilespmem:$0x20C0] =	vst v5  }
0x14c: {  	s10 =	simm.s32 $0x2080;
	s8 =	simm.s32 $0x2100;
	[tilespmem:$0x20A0] =	vst v62  }
0x14d: {  	s9 =	simm.s32 $0x2;
	s11 =	simm.s32 $0x200;
	s0 =	simm.s32 $0x2000;
	[tilespmem:$0x2090] =	vst v63  }
.LBB2_17:
0x14e: {  	[tilespmem:s8], [sflag:$0x1] =	stream.indirect.gather [hbm4b:s4+s5], $0x40, s10, s5, $0xb8;
	[tilespmem:$0x1B5A8] =	vst v63  }
0x14f: {  	s1 =	smov.u32 s11  }
0x150: {  	p0 =	sne.s32 s11, $0xE00;
	s11 =	sadd.s32 $0x200, s11;
	_ =	swait.ge [sflag:s7], $0x2000  }
0x151: {  	[sflag:s7] =	ssyncset.done $0x0  }
0x152: {  	[sflag:s7] =	ssyncadd.s32 $0xFFFFE000  }
0x153: {  	[hbm4b:s3+s5] =	stream.indirect.scatter [tilespmem:s8], [sflag:$0x2], $0x40, s0, s5, $0xb8;
	[tilespmem:$0x1B5A8] =	vst v63  }
0x154: {  	_ =	swait.ge [sflag:s9], $0x2000  }
0x155: {  	[sflag:s9] =	ssyncset.done $0x0  }
0x156: {  	s1 =	sshra.s32 s1, $0x2;
	[sflag:s9] =	ssyncadd.s32 $0xFFFFE000  }
0x157: {  	[tilespmem:s6], [sflag:$0x1] =	stream.indirect.gather [spmem:s2], $0x1, s1, s5, $0xb8;
	[tilespmem:$0x1B5A8] =	vst v63  }
0x158: {  	v0 =	vld [tilespmem:s1+$0x0];
	_ =	sdelay $0x4  }
0x159: {  	[tilespmem:$0x2000] =	vst v0  }
0x15a: {  	v0 =	vld [tilespmem:s1+$0x10];
	_ =	sdelay $0x4  }
0x15b: {  	[tilespmem:$0x2010] =	vst v0  }
0x15c: {  	v0 =	vld [tilespmem:s1+$0x20];
	_ =	sdelay $0x4  }
0x15d: {  	[tilespmem:$0x2020] =	vst v0  }
0x15e: {  	v0 =	vld [tilespmem:s1+$0x30];
	_ =	sdelay $0x4  }
0x15f: {  	[tilespmem:$0x2030] =	vst v0  }
0x160: {  	v0 =	vld [tilespmem:s1+$0x40];
	_ =	sdelay $0x4  }
0x161: {  	[tilespmem:$0x2040] =	vst v0  }
0x162: {  	v0 =	vld [tilespmem:s1+$0x50];
	_ =	sdelay $0x4  }
0x163: {  	[tilespmem:$0x2050] =	vst v0  }
0x164: {  	v0 =	vld [tilespmem:s1+$0x60];
	_ =	sdelay $0x4  }
0x165: {  	[tilespmem:$0x2060] =	vst v0  }
0x166: {  	v0 =	vld [tilespmem:s1+$0x70];
	_ =	sdelay $0x4  }
0x167: {  	[tilespmem:$0x2070] =	vst v0  }
0x168: {  	_ =	swait.ge [sflag:s7], $0x80  }
0x169: {  	[sflag:s7] =	ssyncset.done $0x0  }
0x16a: {  	[sflag:s7] =	ssyncadd.s32 $0xFFFFFF80  }
0x16b: {  	v0 =	vld [tilespmem:$0x470]  }
0x16c: {  	v1 =	vld [tilespmem:$0x450]  }
0x16d: {  	v2 =	vld [tilespmem:$0x460]  }
0x16e: {  	v3 =	vld [tilespmem:$0x430]  }
0x16f: {  	v4 =	vld [tilespmem:$0x400]  }
0x170: {  	v5 =	vld [tilespmem:$0x440];
	[tilespmem:$0x20F0] =	vst v0  }
0x171: {  	v0 =	vld [tilespmem:$0x420];
	[tilespmem:$0x20D0] =	vst v1  }
0x172: {  	v1 =	vld [tilespmem:$0x410];
	[tilespmem:$0x20E0] =	vst v2  }
.Ltmp10:
0x173: {  	[tilespmem:$0x20B0] =	vst v3;
	(pc) =	sbr.rel @p0 .LBB2_17-.Ltmp10, $4  }
0x174: {  	[tilespmem:$0x2080] =	vst v4  }
0x175: {  	[tilespmem:$0x20C0] =	vst v5  }
0x176: {  	[tilespmem:$0x20A0] =	vst v0  }
0x177: {  	[tilespmem:$0x2090] =	vst v1  }
0x178: {  	[tilespmem:s8], [sflag:$0x1] =	stream.indirect.gather [hbm4b:s4+s5], $0x40, s10, s5, $0xb8;
	[tilespmem:$0x1B5A8] =	vst v63  }
0x179: {  	_ =	swait.ge [sflag:s7], $0x2000  }
0x17a: {  	[sflag:s7] =	ssyncset.done $0x0  }
0x17b: {  	[sflag:s7] =	ssyncadd.s32 $0xFFFFE000  }
0x17c: {  	[hbm4b:s3+s5] =	stream.indirect.scatter [tilespmem:s8], [sflag:$0x2], $0x40, s0, s5, $0xb8;
	[tilespmem:$0x1B5A8] =	vst v63  }
0x17d: {  	_ =	swait.ge [sflag:s9], $0x2000  }
0x17e: {  	[sflag:s9] =	ssyncset.done $0x0  }
0x17f: {  	[sflag:s9] =	ssyncadd.s32 $0xFFFFE000  }
0x180: {  	_ =	sfence.sel $0x180000  }
0x181: {  	[bflag:$0x0] =	sbarrier.arrive $0xFFFF  }
0x182: {  	_ =	strace $0x90000047  }
0x183: {  	s31 =	stileid.u32;
	[bflag:$0x2] =	sbarrier.arrive $0xFFFF  }
0x184: {  	p0 =	sne.s32 s31, $0x0;
	s0 =	rddreg [dreg:$0x4]  }
0x185: {  	s0 =	sadd.s32 @!p0 $0x100000, s0  }
0x186: {  	[sflag:s0] =	ssyncadd.tile.s32 @!p0 $0x1;
	_ =	shalt  }
.Lfunc_end2:
_tile_overlayer_lowered:
.L_overlay_start_2:
0x187: {  	(tag) =	ssettag $0x2  }
0x188: {  	s0 =	rddreg [dreg:$0x0];
	s2 =	stileid.u32  }
0x189: {  	s1 =	rddreg [dreg:$0x1];
	p0 =	sne.s32 s2, $0x0  }
0x18a: {  	s3 =	rddreg [dreg:$0x2];
	[bflag:$0x3] =	sbarrier.arrive $0xFFFF;
	s2 =	simm.s32 @!p0 $0x1C05  }
0x18b: {  	[timem:s3], [sflag:s2] =	dma.local @!p0 [hbm:s0], s1  }
0x18c: {  	s0 =	simm.s32 @!p0 $0x5  }
0x18d: {  	_ =	swait.ge @!p0 [sflag:s0], s1  }
0x18e: {  	s1 =	ssub.s32 @!p0 $0x0, s1;
	[sflag:s0] =	ssyncset.done @!p0 $0x0  }
0x18f: {  	[sflag:s0] =	ssyncadd.s32 @!p0 s1  }
0x190: {  	[bflag:$0x3] =	sbarrier.arrive $0xFFFF  }
0x191: {  	_ =	shalt  }

// kernel: sparse-core-data-format-call.cloned.1.call-start
scs
called_computation_lowered:
.L_overlay_start_0:
0x0: {  	s2 =	sld [smem:$0x3FD9]  }
0x1: {  	s3 =	sld [smem:$0x3FFE];
	_ =	sdelay $0x1  }
0x2: {  	s1 =	srdreg.scid  }
0x3: {  	s0 =	sand.u32 $0x1, s1  }
0x4: {  	s18 =	sshll.u32 s0, $0xA;
	s2 =	sadd.s32 s3, s2  }
0x5: {  	s2 =	sadd.s32 s2, s18  }
0x6: {  	[smem:$0x3FC5] =	sst s2  }
0x7: {  	_ = 	snop  }
0x8: {  	s2 =	sld [smem:$0x3FD0];
	(tm) =	ssettm $0x1  }
0x9: {  	s19 =	sld [smem:$0x3FFB];
	_ =	sdelay $0x3  }
0xa: {  	_ =	strace s19  }
0xb: {  	s3 =	sld [smem:$0x3FFC];
	_ =	sdelay $0x3  }
0xc: {  	_ =	strace s3  }
0xd: {  	s3 =	sld [smem:$0x3FFD];
	_ =	sdelay $0x3  }
0xe: {  	_ =	strace s3  }
0xf: {  	_ =	strace $0x8FFFFFFF  }
0x10: {  	s20 =	sld [smem:$0x3FDB];
	_ =	sdelay $0x1  }
0x11: {  	s4 =	simm.s32 $_scs_section_size  }
0x12: {  	s5 =	simm.s32 $_size__tile_overlayer_lowered;
	s6 =	simm.s32 $_tile_overlayer_lowered  }
0x13: {  	s23 =	simm.s32 $0x1BFF;
	s22 =	sshll.u32 s6, $0x1;
	s3 =	sadd.s32 s4, s20  }
0x14: {  	s7 =	simm.s32 $0x0;
	s21 =	sshll.u32 s5, $0x1;
	s5 =	sadd.s32 s22, s3  }
0x15: {  	[timem:s7], [sflag:s23] =	dma.local [hbm:s5], s21  }
0x16: {  	_ =	swait.ge [sflag:s23], s21  }
0x17: {  	s4 =	ssub.s32 $0x0, s21;
	[sflag:s23] =	ssyncset.done $0x0  }
0x18: {  	[sflag:s23] =	ssyncadd.s32 s4;
	_ =	sdelay $0x1  }
0x19: {  	s24 =	simm.s32 $0x1B8B  }
0x1a: {  	_ =	swait.ge [sflag:s24], $0x1  }
0x1b: {  	[sflag:s24] =	ssyncset.done $0x0  }
0x1c: {  	s26 =	simm.s32 $0x1B8E;
	s25 =	sld [smem:$0x3FFE];
	[sflag:s24] =	ssyncadd.s32 $0xFFFFFFFF  }
0x1d: {  	s27 =	simm.s32 $execute0_lowered;
	[smem:$0x3FD2] =	sst s26  }
0x1e: {  	s5 =	sshll.u32 s27, $0x1;
	_ =	strace $0x80000049;
	[dreg:$0x1] =	wrdreg $0xFFFFFFFF  }
0x1f: {  	s28 =	simm.s32 $_size_execute0_lowered;
	s3 =	sadd.s32 s3, s5;
	[dreg:$0x0] =	wrdreg $0x0  }
0x20: {  	s5 =	sshll.u32 s28, $0x1;
	[dreg:$0x2] =	wrdreg s3  }
0x21: {  	[dreg:$0x3] =	wrdreg s5  }
0x22: {  	[dreg:$0x4] =	wrdreg $0xC0  }
0x23: {  	_ =	task [dreg:s7], $0x5FFFF  }
0x24: {  	[dreg:$0x1] =	wrdreg $0xFFFFFFFF  }
0x25: {  	[dreg:$0x0] =	wrdreg $0x60  }
0x26: {  	[dreg:$0x2] =	wrdreg s25  }
0x27: {  	[dreg:$0x3] =	wrdreg s2  }
0x28: {  	[dreg:$0x4] =	wrdreg $0x9  }
0x29: {  	_ =	task.clear_ibuf [dreg:s7], $0x5FFFF;
	_ =	strace $0x90000049  }
0x2a: {  	s29 =	simm.s32 $0x9;
	_ =	strace $0x8000004B  }
0x2b: {  	_ =	swait.ge [sflag:s29], $0x1  }
0x2c: {  	[sflag:s29] =	ssyncadd.s32 $0xFFFFFFFF  }
0x2d: {  	_ =	strace $0x9000004B  }
0x2e: {  	_ =	sfence  }
0x2f: {  	s30 =	sld [smem:$0x0];
	_ =	sdelay $0x2  }
0x30: {  	s31 =	sshll.u32 s1, $0xD;
	s1 =	sshrl.u32 s1, $0x2  }
0x31: {  	s3 =	sand.u32 $0x4000, s31;
	s1 =	sadd.s32 s1, s30  }
0x32: {  	s0 =	sor.u32 s3, s0;
	s1 =	sshll.u32 s1, $0x11  }
0x33: {  	s0 =	sor.u32 s1, s0  }
0x34: {  	s0 =	sadd.s32 $0x8F2B, s0  }
0x35: {  	[sflag:s0] =	ssyncadd.remote.s32 $0x1  }
0x36: {  	_ =	sfence.sel $0xFFFF  }
0x37: {  	[dreg:$0x0] =	wrdreg $0xFFFFFFFF;
	(pc) =	sbr.abs _section_cstart, $3  }
0x38: {  	[dreg:$0x1] =	wrdreg $0xFFFFFFFF  }
0x39: {  	_ =	task.clear_ibuf [dreg:s7], $0x2FFFF;
	_ =	strace $0x9FFFFFFF  }
0x3a: {  	(tm) =	ssettm $0x7FFFFFFF  }
0x3b: {  	_ =	shalt  }
tec
execute0_lowered:
.L_overlay_start_1:
0x0: {  	(tag) =	ssettag $0x1  }
0x1: {  	s4 =	rddreg [dreg:$0x0]  }
0x2: {  	s0 =	srdreg.scid;
	s2 =	rddreg [dreg:$0x1]  }
0x3: {  	s1 =	stileid.u32;
	s5 =	simm.s32 $0x1;
	s0 =	sshll.u32 s0, $0x4  }
0x4: {  	s7 =	simm.s32 $0x2;
	s11 =	simm.s32 $0x0;
	s3 =	sand.u32 $0x10, s0  }
.Ltmp0:
0x5: {  	p0 =	por $0x0, $0x0;
	s3 =	sor.u32 s1, s3;
	(pc) =	sbr.rel .LBB1_1-.Ltmp0, $4  }
0x6: {  	s8 =	simm.s32 $0x7A1400;
	s10 =	simm.s32 $0x0;
	s3 =	sshll.u32 s3, $0x7  }
0x7: {  	s0 =	rddreg [dreg:$0x2];
	_ =	strace $0x8000004A;
	s6 =	ssub.s32 $0xF4200, s3  }
0x8: {  	s4 =	sadd.s32 $0x7C1C00, s4;
	[sflag:s5] =	ssyncpa.u1 $0x0;
	s6 =	sshrl.u32 s6, $0xC  }
0x9: {  	[sflag:s7] =	ssyncpa.u1 $0x0;
	s9 =	smov.u32 s3;
	s7 =	sadd.s32 $0x2, s6  }
.LBB1_5:
0xa: {  	s13 =	sadd.s32 $0x1000, s9  }
0xb: {  	p2 =	sgt.s32 s13, $0xF423F  }
0xc: {  	s13 =	smov.u32 @p2 s3;
	p2 =	sne.s32 s10, s7  }
.Ltmp1:
0xd: {  	p1 =	slt.u32 s10, $0x2;
	(pc) =	sbr.rel @!p2 .LBB1_6-.Ltmp1, $4  }
0xe: {  	s12 =	simm.s32 @!p1 $0x2  }
0xf: {  	s14 =	sadd.s32 $0x1, s10;
	_ =	swait.ge @!p1 [sflag:s12], $0x2000  }
0x10: {  	s11 =	smov.u32 s9;
	p0 =	por !p0, !p0;
	[sflag:s12] =	ssyncset.done @!p1 $0x0  }
0x11: {  	s10 =	smov.u32 s14;
	s9 =	smov.u32 s13;
	[sflag:s12] =	ssyncadd.s32 @!p1 $0xFFFFE000  }
.LBB1_1:
0x12: {  	p1 =	sgt.u32 s10, s6  }
0x13: {  	s13 =	smov.u32 s9;
	p2 =	sgt.s32 @!p1 s9, $0xF41C0  }
0x14: {  	s12 =	sand.u32 @!p1 $0x1FFFFFF, s9;
	s14 =	sshra.s32 @!p1 s9, $0x1F;
	p2 =	por !p2, p1  }
0x15: {  	s15 =	smulhi.u32 @!p1 $0x218DEF5, s12;
	s14 =	sand.u32 @!p1 s14, s9;
	s13 =	simm.s32 @p2 $0xF41C0  }
0x16: {  	s13 =	ssub.s32 @!p1 s13, s14  }
0x17: {  	s14 =	sshrl.u32 @!p1 s15, $0xD;
	s13 =	sadd.s32 @!p1 $0xFFF0BE40, s13  }
0x18: {  	s15 =	sxor.u32 @!p1 $0xFFFFFFFF, s10;
	s14 =	smul.u32 @!p1 $0xF4240, s14;
	s16 =	sshll.u32 @!p1 s13, $0x8  }
0x19: {  	s15 =	sshll.u32 @!p1 s15, $0xD;
	p2 =	sgt.s32 @!p1 s13, $0x7F;
	s13 =	ssub.s32 @!p1 $0x8000, s16  }
0x1a: {  	s12 =	ssub.s32 @!p1 s12, s14;
	p2 =	por !p2, p1;
	s14 =	sand.u32 @!p1 $0x2000, s15  }
0x1b: {  	s15 =	simm.s32 @!p1 $0x40;
	s13 =	sshrl.u32 @!p1 s13, $0x2;
	s12 =	sshll.u32 @!p1 s12, $0x4  }
0x1c: {  	s16 =	simm.s32 @!p1 $0x80;
	s13 =	simm.s32 @!p2 $0x0;
	s12 =	sadd.s32 @!p1 s4, s12  }
0x1d: {  	[tilespmem:s14], [sflag:$0x1] =	stream.strided.gather @!p1 [hbm4b:s12+s15], s13, s16, s15, $0x38;
	[tilespmem:$0x8080] =	vst v63  }
0x1e: {  	p1 =	seq.s32 s10, $0x0  }
0x1f: {  	p2 =	sge.u32 @!p1 s10, s7  }
0x20: {  	p1 =	por p1, p2  }
.Ltmp2:
0x21: {  	_ = 	snop;
	(pc) =	sbr.rel @p1 .LBB1_5-.Ltmp2, $1  }
0x22: {  	_ =	sdelay $0x3  }
0x23: {  	p1 =	sgt.s32 s11, $0xF41C0;
	s12 =	smov.u32 s11;
	s13 =	sshra.s32 s11, $0x1F  }
0x24: {  	s12 =	simm.s32 @!p1 $0xF41C0;
	s13 =	sand.u32 s13, s11  }
0x25: {  	s12 =	ssub.s32 s12, s13  }
0x26: {  	s12 =	sadd.s32 $0xFFF0BE40, s12  }
0x27: {  	s28 =	sshll.u32 s12, $0x8  }
0x28: {  	s13 =	ssub.s32 $0x8000, s28  }
0x29: {  	p1 =	sgt.s32 s12, $0x7F;
	s12 =	sshrl.u32 s13, $0x2  }
0x2a: {  	s13 =	simm.s32 $0x1;
	s12 =	simm.s32 @p1 $0x0  }
0x2b: {  	s13 =	simm.s32 @!p0 $0x0;
	_ =	swait.ge [sflag:s5], s12  }
0x2c: {  	s14 =	sshll.u32 s13, $0xD;
	s12 =	ssub.s32 $0x0, s12;
	[sflag:s5] =	ssyncset.done $0x0  }
0x2d: {  	s16 =	sor.u32 $0x20, s14;
	[sflag:s5] =	ssyncadd.s32 s12  }
0x2e: {  	s29 =	smul.u32 $0x8100, s13;
	v3 =	vld [tilespmem:s16+$0x10]  }
0x2f: {  	s30 =	sand.u32 $0x1, s10;
	v2 =	vld [tilespmem:s16+$0xFFFFFFF0]  }
0x30: {  	s13 =	smul.u32 $0x8100, s30;
	s12 =	sshrl.u32 s29, $0x2;
	v0 =	vld [tilespmem:s16+$0x0]  }
0x31: {  	s14 =	sor.u32 $0x4000, s12;
	v1 =	vld [tilespmem:s16+$0xFFFFFFE0]  }
0x32: {  	s31 =	sshrl.u32 s13, $0x2;
	s13 =	sadd.s32 $0x0, s14  }
0x33: {  	s15 =	simm.s32 $0x4;
	s12 =	sor.u32 $0x4000, s31;
	s16 =	sadd.s32 $0x40, s16;
	[tilespmem:s13+$0x1830 ss:$0x81] =	vst.msk $0xffff, v3  }
.LBB1_3:
0x34: {  	v3 =	vld [tilespmem:s16+$0x10];
	p1 =	sne.s32 s15, $0x1FC;
	[tilespmem:s13+$0x810 ss:$0x81] =	vst.msk $0xffff, v2;
	s17 =	smov.u32 s15;
	s15 =	sadd.s32 $0x4, s15  }
.Ltmp3:
0x35: {  	v2 =	vld [tilespmem:s16+$0xFFFFFFF0];
	[tilespmem:s13+$0x1020 ss:$0x81] =	vst.msk $0xffff, v0;
	(pc) =	sbr.rel @p1 .LBB1_3-.Ltmp3, $4  }
0x36: {  	v0 =	vld [tilespmem:s16+$0x0];
	[tilespmem:s13+$0x0 ss:$0x81] =	vst.msk $0xffff, v1  }
0x37: {  	s13 =	sshra.s32 s17, $0x2;
	v1 =	vld [tilespmem:s16+$0xFFFFFFE0]  }
0x38: {  	s13 =	sadd.s32 s13, s14  }
0x39: {  	s16 =	sadd.s32 $0x40, s16;
	[tilespmem:s13+$0x1830 ss:$0x81] =	vst.msk $0xffff, v3  }
0x3a: {  	s14 =	sshll.u32 s11, $0x3  }
0x3b: {  	s30 =	sand.u32 $0x7F, s11;
	s14 =	sand.u32 $0xFFFFFC00, s14  }
0x3c: {  	s11 =	sor.u32 s30, s14  }
0x3d: {  	s15 =	smulhi.u32 $0x218D6287, s11;
	_ =	sdelay $0x1  }
0x3e: {  	s14 =	smulhi.u32 $0x218D6287, s14;
	s15 =	sshrl.u32 s15, $0x11  }
0x3f: {  	s15 =	smul.u32 $0xF4280, s15  }
0x40: {  	s14 =	sshrl.u32 s14, $0x11  }
.Ltmp4:
0x41: {  	s14 =	sand.u32 $0x3F, s14;
	s11 =	ssub.s32 s11, s15;
	(pc) =	sbr.rel .LBB1_5-.Ltmp4, $4  }
0x42: {  	[tilespmem:s13+$0x810 ss:$0x81] =	vst.msk $0xffff, v2;
	s14 =	smul.u32 $0x1E850, s14;
	s15 =	sshrl.u32 s11, $0x3;
	s11 =	sand.u32 $0x7, s11  }
0x43: {  	[tilespmem:s13+$0x1020 ss:$0x81] =	vst.msk $0xffff, v0;
	s15 =	sadd.s32 s2, s15;
	s11 =	sshll.u32 s11, $0x12  }
0x44: {  	[tilespmem:s13+$0x0 ss:$0x81] =	vst.msk $0xffff, v1;
	s31 =	sadd.s32 s14, s15;
	s11 =	sor.u32 $0x400, s11  }
0x45: {  	[hbm4b:s31+s11] =	stream.strided.scatter [tilespmem:s12], [sflag:$0x2], $0x2000, s8, s11, $0x20;
	[tilespmem:$0x8080] =	vst v63  }
.LBB1_6:
0x46: {  	_ =	sfence.sel $0x180000  }
0x47: {  	s2 =	simm.s32 $0x1;
	[bflag:$0x0] =	sbarrier.arrive $0xFFFF  }
0x48: {  	s31 =	simm.s32 $0x2;
	[sflag:s2] =	ssyncpa.u1 $0x1  }
0x49: {  	[sflag:s31] =	ssyncpa.u1 $0x1  }
0x4a: {  	p0 =	sne.s32 s1, $0x0;
	_ =	strace $0x9000004A  }
0x4b: {  	s0 =	sadd.s32 @!p0 $0x100000, s0;
	[bflag:$0x2] =	sbarrier.arrive $0xFFFF  }
0x4c: {  	[sflag:s0] =	ssyncadd.tile.s32 @!p0 $0x1;
	_ =	shalt  }
.Lfunc_end1:
_tile_overlayer_lowered:
.L_overlay_start_2:
0x4d: {  	(tag) =	ssettag $0x2  }
0x4e: {  	s0 =	rddreg [dreg:$0x0];
	s2 =	stileid.u32  }
0x4f: {  	s1 =	rddreg [dreg:$0x1];
	p0 =	sne.s32 s2, $0x0  }
0x50: {  	s3 =	rddreg [dreg:$0x2];
	[bflag:$0x3] =	sbarrier.arrive $0xFFFF;
	s2 =	simm.s32 @!p0 $0x1C01  }
0x51: {  	[timem:s3], [sflag:s2] =	dma.local @!p0 [hbm:s0], s1  }
0x52: {  	s0 =	simm.s32 @!p0 $0x1  }
0x53: {  	_ =	swait.ge @!p0 [sflag:s0], s1  }
0x54: {  	s1 =	ssub.s32 @!p0 $0x0, s1;
	[sflag:s0] =	ssyncset.done @!p0 $0x0  }
0x55: {  	[sflag:s0] =	ssyncadd.s32 @!p0 s1  }
0x56: {  	[bflag:$0x3] =	sbarrier.arrive $0xFFFF  }
0x57: {  	_ =	shalt  }

</sc_bundles>
